<compile_context>
chip_gen: v7x
topology: tpu7x:2x2x1
jax: 0.10.2.dev20260603
libtpu: 0.0.44.dev20260713+nightly
codegen_flags: <defaults>
</compile_context>

<pallas_src>
import functools

import jax
import jax.numpy as jnp
from jax import lax
from jax.experimental import pallas as pl
from jax.experimental.pallas import tpu as pltpu
from jax.experimental.pallas import tpu_sc as plsc

VOCAB = 100000
MAXLEN = 200
EMBED = 64
BATCH = 4096

NC, NS = 2, 16
NW = NC * NS
BPW = BATCH // NW
NBUF = 4
NSTEP = MAXLEN // NBUF


def _tpe_body(tok_hbm, xt_hbm, pos_hbm, out_hbm,
              idx_v, pos_v,
              g0, g1, g2, g3, o0, o1, o2, o3,
              gs0, gs1, gs2, gs3, os0, os1, os2, os3):
    gbufs = (g0, g1, g2, g3)
    obufs = (o0, o1, o2, o3)
    gsems = (gs0, gs1, gs2, gs3)
    osems = (os0, os1, os2, os3)

    wid = lax.axis_index("s") * NC + lax.axis_index("c")
    b0 = wid * BPW

    pltpu.sync_copy(xt_hbm.at[:, pl.ds(b0, BPW)], idx_v)
    pltpu.sync_copy(pos_hbm, pos_v)

    def fire_gather(s, j):
        pltpu.async_copy(tok_hbm.at[idx_v.at[j]], gbufs[s], gsems[s])

    def wait_gather(s):
        pltpu.make_async_copy(tok_hbm.at[idx_v.at[0]], gbufs[s], gsems[s]).wait()

    def fire_scatter(s, j):
        pltpu.async_copy(obufs[s], out_hbm.at[pl.ds(b0, BPW), pl.ds(j, 1)],
                         osems[s])

    def wait_scatter(s):
        pltpu.make_async_copy(obufs[s],
                              out_hbm.at[pl.ds(b0, BPW), pl.ds(0, 1)],
                              osems[s]).wait()

    def add_pos(s, j):
        p = [pos_v[j, pl.ds(16 * k, 16)] for k in range(4)]
        gb, ob = gbufs[s], obufs[s]

        def row_body(i, _):
            r = 4 * i
            for u in range(4):
                for k in range(4):
                    ob[r + u, 0, pl.ds(16 * k, 16)] = (
                        gb[r + u, pl.ds(16 * k, 16)] + p[k])
            return 0

        lax.fori_loop(0, BPW // 4, row_body, 0)

    for s in range(NBUF):
        fire_gather(s, s)

    def turn(t, _):
        for s in range(NBUF):
            j = NBUF * t + s
            wait_gather(s)

            @pl.when(t > 0)
            def _():
                wait_scatter(s)

            add_pos(s, j)
            fire_gather(s, jnp.minimum(j + NBUF, MAXLEN - 1))
            fire_scatter(s, j)
        return 0

    lax.fori_loop(0, NSTEP, turn, 0)

    for s in range(NBUF):
        wait_gather(s)
        wait_scatter(s)


_mesh = plsc.VectorSubcoreMesh(core_axis_name="c", subcore_axis_name="s")

_tpe_call = functools.partial(
    pl.kernel,
    out_type=jax.ShapeDtypeStruct((BATCH, MAXLEN, EMBED), jnp.float32),
    mesh=_mesh,
    scratch_types=[
        pltpu.VMEM((MAXLEN, BPW), jnp.int32),
        pltpu.VMEM((MAXLEN, EMBED), jnp.float32),
    ]
    + [pltpu.VMEM((BPW, EMBED), jnp.float32) for _ in range(NBUF)]
    + [pltpu.VMEM((BPW, 1, EMBED), jnp.float32) for _ in range(NBUF)]
    + [pltpu.SemaphoreType.DMA for _ in range(2 * NBUF)],
    compiler_params=pltpu.CompilerParams(use_tc_tiling_on_sc=False),
)(_tpe_body)


@jax.jit
def kernel(x, token_table, pos_table):
    xt = jnp.transpose(x.astype(jnp.int32))
    return _tpe_call(token_table, xt, pos_table)

# --- scband reference (transcript-rebuilt; emitter-appended) ---
"""Pipeline reference for scband-token-and-position-embedding-65266323030526 (READ-ONLY COPY).

The authoritative reference and input builder live on the scoring server;
editing this copy changes nothing except your own understanding.
"""

import jax, jax.numpy as jnp
import numpy as np

VOCAB = 100000
MAXLEN = 200
EMBED = 64
BATCH = 4096

def setup_inputs(seed: int = 0) -> dict:
    key = jax.random.key(seed)
    k1, k2, k3 = jax.random.split(key, 3)
    x = jax.random.randint(k1, (BATCH, MAXLEN), 0, VOCAB, dtype=jnp.int64 if jax.config.read('jax_enable_x64') else jnp.int32)
    token_table = jax.random.normal(k2, (VOCAB, EMBED), dtype=jnp.float32) * 0.05
    pos_table = jax.random.normal(k3, (MAXLEN, EMBED), dtype=jnp.float32) * 0.05
    return {"x": x, "token_table": token_table, "pos_table": pos_table}

def reference(x, token_table, pos_table):
    # TokenAndPositionEmbedding.call:
    # maxlen = x.shape[-1]; positions = range(maxlen)
    maxlen = x.shape[-1]
    positions = jnp.arange(maxlen)
    pos_emb = jnp.take(pos_table, positions, axis=0)        # [maxlen, embed]
    tok_emb = jnp.take(token_table, x, axis=0)              # [batch, maxlen, embed]
    return tok_emb + pos_emb[None, :, :]

if __name__ == "__main__":
    import jax
    _d = setup_inputs()
    print(jax.jit(kernel)(*tuple(_d.values())))

</pallas_src>

<mosaic_0001>
#map = affine_map<(d0, d1) -> (0, 0)>
#map1 = affine_map<(d0, d1) -> (0, 0, 0)>
module attributes {stable_mosaic.version = 14 : i64} {
  func.func @_tpe_body(%arg0: i32, %arg1: i32, %arg2: memref<100000x64xf32, #tpu.memory_space<hbm>>, %arg3: memref<200x4096xi32, #tpu.memory_space<hbm>>, %arg4: memref<200x64xf32, #tpu.memory_space<hbm>>, %arg5: memref<4096x200x64xf32, #tpu.memory_space<hbm>>, %arg6: memref<200x128xi32, #tpu.memory_space<vmem>>, %arg7: memref<200x64xf32, #tpu.memory_space<vmem>>, %arg8: memref<128x64xf32, #tpu.memory_space<vmem>>, %arg9: memref<128x64xf32, #tpu.memory_space<vmem>>, %arg10: memref<128x64xf32, #tpu.memory_space<vmem>>, %arg11: memref<128x64xf32, #tpu.memory_space<vmem>>, %arg12: memref<128x1x64xf32, #tpu.memory_space<vmem>>, %arg13: memref<128x1x64xf32, #tpu.memory_space<vmem>>, %arg14: memref<128x1x64xf32, #tpu.memory_space<vmem>>, %arg15: memref<128x1x64xf32, #tpu.memory_space<vmem>>, %arg16: memref<!tpu.dma_semaphore, #tpu.memory_space<semaphore_mem>>, %arg17: memref<!tpu.dma_semaphore, #tpu.memory_space<semaphore_mem>>, %arg18: memref<!tpu.dma_semaphore, #tpu.memory_space<semaphore_mem>>, %arg19: memref<!tpu.dma_semaphore, #tpu.memory_space<semaphore_mem>>, %arg20: memref<!tpu.dma_semaphore, #tpu.memory_space<semaphore_mem>>, %arg21: memref<!tpu.dma_semaphore, #tpu.memory_space<semaphore_mem>>, %arg22: memref<!tpu.dma_semaphore, #tpu.memory_space<semaphore_mem>>, %arg23: memref<!tpu.dma_semaphore, #tpu.memory_space<semaphore_mem>>) attributes {dimension_semantics = [#tpu.dimension_semantics<core_parallel>, #tpu.dimension_semantics<subcore_parallel>], iteration_bounds = array<i64: 2, 16>, scalar_prefetch = 0 : i64, scratch_operands = 18 : i64, tpu.core_type = #tpu.core_type<sc_vector_subcore>, window_params = [{transform_indices = #map}, {transform_indices = #map}, {transform_indices = #map}, {transform_indices = #map1}]} {
    %mul3A = arith.constant 2 : i32
    %mul3A_0 = arith.muli %arg1, %mul3A : i32
    %add3A = arith.addi %mul3A_0, %arg0 : i32
    %mul3A_1 = arith.constant 128 : i32
    %mul3A_2 = arith.muli %add3A, %mul3A_1 : i32
    "tpu.region"() ({
      %run_scoped3A = tpu.sem_alloc : memref<!tpu.dma_semaphore, #tpu.memory_space<semaphore_mem>>
      %dma_start3A_87 = arith.constant 0 : i32
      %dma_start3A_88 = tpu.memref_slice %arg3[%dma_start3A_87, %mul3A_2] : memref<200x4096xi32, #tpu.memory_space<hbm>> -> memref<200x128xi32, #tpu.memory_space<hbm>>
      %dma_start3A_89 = arith.constant 0 : i32
      %dma_start3A_90 = tpu.memref_slice %arg3[%dma_start3A_89, %mul3A_2] : memref<200x4096xi32, #tpu.memory_space<hbm>> -> memref<200x128xi32, #tpu.memory_space<hbm>>
      tpu.enqueue_dma source(%dma_start3A_90 : memref<200x128xi32, #tpu.memory_space<hbm>>) target(%arg6 : memref<200x128xi32, #tpu.memory_space<vmem>>) target_semaphore(%run_scoped3A : memref<!tpu.dma_semaphore, #tpu.memory_space<semaphore_mem>>)
      %dma_wait3A_91 = arith.constant 0 : i32
      %dma_wait3A_92 = tpu.memref_slice %arg3[%dma_wait3A_91, %mul3A_2] : memref<200x4096xi32, #tpu.memory_space<hbm>> -> memref<200x128xi32, #tpu.memory_space<hbm>>
      %dma_wait3A_93 = arith.constant 0 : i32
      %dma_wait3A_94 = tpu.memref_slice %arg3[%dma_wait3A_93, %mul3A_2] : memref<200x4096xi32, #tpu.memory_space<hbm>> -> memref<200x128xi32, #tpu.memory_space<hbm>>
      tpu.wait_dma2 semaphore(%run_scoped3A : memref<!tpu.dma_semaphore, #tpu.memory_space<semaphore_mem>>) src(%dma_wait3A_94 : memref<200x128xi32, #tpu.memory_space<hbm>>) dst(%arg6 : memref<200x128xi32, #tpu.memory_space<vmem>>)
      tpu.yield
    }) : () -> ()
    "tpu.region"() ({
      %run_scoped3A = tpu.sem_alloc : memref<!tpu.dma_semaphore, #tpu.memory_space<semaphore_mem>>
      tpu.enqueue_dma source(%arg4 : memref<200x64xf32, #tpu.memory_space<hbm>>) target(%arg7 : memref<200x64xf32, #tpu.memory_space<vmem>>) target_semaphore(%run_scoped3A : memref<!tpu.dma_semaphore, #tpu.memory_space<semaphore_mem>>)
      tpu.wait_dma2 semaphore(%run_scoped3A : memref<!tpu.dma_semaphore, #tpu.memory_space<semaphore_mem>>) src(%arg4 : memref<200x64xf32, #tpu.memory_space<hbm>>) dst(%arg7 : memref<200x64xf32, #tpu.memory_space<vmem>>)
      tpu.yield
    }) : () -> ()
    %dma_start3A = arith.constant 0 : i32
    %dma_start3A_3 = arith.constant 0 : i32
    %dma_start3A_4 = tpu.memref_slice %arg6[%dma_start3A, %dma_start3A_3] : memref<200x128xi32, #tpu.memory_space<vmem>> -> memref<1x128xi32, #tpu.memory_space<vmem>>
    %dma_start3A_5 = tpu.memref_squeeze %dma_start3A_4 : memref<1x128xi32, #tpu.memory_space<vmem>> -> memref<128xi32, #tpu.memory_space<vmem>>
    %dma_start3A_6 = arith.constant 0 : i32
    %dma_start3A_7 = arith.constant 0 : i32
    %dma_start3A_8 = tpu.memref_slice %arg2[%dma_start3A_6, %dma_start3A_7] : memref<100000x64xf32, #tpu.memory_space<hbm>> -> memref<100000x64xf32, #tpu.memory_space<hbm>>
    tpu.enqueue_indirect_dma source(%dma_start3A_8 : memref<100000x64xf32, #tpu.memory_space<hbm>>) target(%arg8 : memref<128x64xf32, #tpu.memory_space<vmem>>) offsets(%dma_start3A_5 : memref<128xi32, #tpu.memory_space<vmem>>) semaphore(%arg16 : memref<!tpu.dma_semaphore, #tpu.memory_space<semaphore_mem>>)
    %dma_start3A_9 = arith.constant 1 : i32
    %dma_start3A_10 = arith.constant 0 : i32
    %dma_start3A_11 = tpu.memref_slice %arg6[%dma_start3A_9, %dma_start3A_10] : memref<200x128xi32, #tpu.memory_space<vmem>> -> memref<1x128xi32, #tpu.memory_space<vmem>>
    %dma_start3A_12 = tpu.memref_squeeze %dma_start3A_11 : memref<1x128xi32, #tpu.memory_space<vmem>> -> memref<128xi32, #tpu.memory_space<vmem>>
    %dma_start3A_13 = arith.constant 0 : i32
    %dma_start3A_14 = arith.constant 0 : i32
    %dma_start3A_15 = tpu.memref_slice %arg2[%dma_start3A_13, %dma_start3A_14] : memref<100000x64xf32, #tpu.memory_space<hbm>> -> memref<100000x64xf32, #tpu.memory_space<hbm>>
    tpu.enqueue_indirect_dma source(%dma_start3A_15 : memref<100000x64xf32, #tpu.memory_space<hbm>>) target(%arg9 : memref<128x64xf32, #tpu.memory_space<vmem>>) offsets(%dma_start3A_12 : memref<128xi32, #tpu.memory_space<vmem>>) semaphore(%arg17 : memref<!tpu.dma_semaphore, #tpu.memory_space<semaphore_mem>>)
    %dma_start3A_16 = arith.constant 2 : i32
    %dma_start3A_17 = arith.constant 0 : i32
    %dma_start3A_18 = tpu.memref_slice %arg6[%dma_start3A_16, %dma_start3A_17] : memref<200x128xi32, #tpu.memory_space<vmem>> -> memref<1x128xi32, #tpu.memory_space<vmem>>
    %dma_start3A_19 = tpu.memref_squeeze %dma_start3A_18 : memref<1x128xi32, #tpu.memory_space<vmem>> -> memref<128xi32, #tpu.memory_space<vmem>>
    %dma_start3A_20 = arith.constant 0 : i32
    %dma_start3A_21 = arith.constant 0 : i32
    %dma_start3A_22 = tpu.memref_slice %arg2[%dma_start3A_20, %dma_start3A_21] : memref<100000x64xf32, #tpu.memory_space<hbm>> -> memref<100000x64xf32, #tpu.memory_space<hbm>>
    tpu.enqueue_indirect_dma source(%dma_start3A_22 : memref<100000x64xf32, #tpu.memory_space<hbm>>) target(%arg10 : memref<128x64xf32, #tpu.memory_space<vmem>>) offsets(%dma_start3A_19 : memref<128xi32, #tpu.memory_space<vmem>>) semaphore(%arg18 : memref<!tpu.dma_semaphore, #tpu.memory_space<semaphore_mem>>)
    %dma_start3A_23 = arith.constant 3 : i32
    %dma_start3A_24 = arith.constant 0 : i32
    %dma_start3A_25 = tpu.memref_slice %arg6[%dma_start3A_23, %dma_start3A_24] : memref<200x128xi32, #tpu.memory_space<vmem>> -> memref<1x128xi32, #tpu.memory_space<vmem>>
    %dma_start3A_26 = tpu.memref_squeeze %dma_start3A_25 : memref<1x128xi32, #tpu.memory_space<vmem>> -> memref<128xi32, #tpu.memory_space<vmem>>
    %dma_start3A_27 = arith.constant 0 : i32
    %dma_start3A_28 = arith.constant 0 : i32
    %dma_start3A_29 = tpu.memref_slice %arg2[%dma_start3A_27, %dma_start3A_28] : memref<100000x64xf32, #tpu.memory_space<hbm>> -> memref<100000x64xf32, #tpu.memory_space<hbm>>
    tpu.enqueue_indirect_dma source(%dma_start3A_29 : memref<100000x64xf32, #tpu.memory_space<hbm>>) target(%arg11 : memref<128x64xf32, #tpu.memory_space<vmem>>) offsets(%dma_start3A_26 : memref<128xi32, #tpu.memory_space<vmem>>) semaphore(%arg19 : memref<!tpu.dma_semaphore, #tpu.memory_space<semaphore_mem>>)
    %scan3A = arith.constant 0 : i32
    %scan3A_30 = arith.constant 0 : i32
    %scan3A_31 = arith.constant 50 : i32
    %scan3A_32 = arith.addi %scan3A_30, %scan3A_31 : i32
    %scan3A_33 = arith.constant 1 : i32
    %scan3A_34 = scf.for %scan3A_87 = %scan3A_30 to %scan3A_32 step %scan3A_33 iter_args(%scan3A_88 = %scan3A) -> (i32)  : i32 {
      %mul3A_89 = arith.constant 4 : i32
      %mul3A_90 = arith.muli %mul3A_89, %scan3A_87 : i32
      %add3A_91 = arith.constant 0 : i32
      %add3A_92 = arith.addi %mul3A_90, %add3A_91 : i32
      %dma_wait3A_93 = arith.constant 0 : i32
      %dma_wait3A_94 = arith.constant 0 : i32
      %dma_wait3A_95 = tpu.memref_slice %arg6[%dma_wait3A_93, %dma_wait3A_94] : memref<200x128xi32, #tpu.memory_space<vmem>> -> memref<1x128xi32, #tpu.memory_space<vmem>>
      %dma_wait3A_96 = tpu.memref_squeeze %dma_wait3A_95 : memref<1x128xi32, #tpu.memory_space<vmem>> -> memref<128xi32, #tpu.memory_space<vmem>>
      %dma_wait3A_97 = arith.constant 0 : i32
      %dma_wait3A_98 = arith.constant 0 : i32
      %dma_wait3A_99 = tpu.memref_slice %arg2[%dma_wait3A_97, %dma_wait3A_98] : memref<100000x64xf32, #tpu.memory_space<hbm>> -> memref<100000x64xf32, #tpu.memory_space<hbm>>
      tpu.wait_indirect_dma semaphore(%arg16 : memref<!tpu.dma_semaphore, #tpu.memory_space<semaphore_mem>>) src(%dma_wait3A_99 : memref<100000x64xf32, #tpu.memory_space<hbm>>) dst(%arg8 : memref<128x64xf32, #tpu.memory_space<vmem>>)
      %gt3A = arith.constant 0 : i32
      %gt3A_100 = arith.cmpi sgt, %scan3A_87, %gt3A : i32
      %convert_element_type3A = arith.extui %gt3A_100 : i1 to i32
      %cond3A = arith.constant 0 : i32
      %cond3A_101 = arith.cmpi ne, %convert_element_type3A, %cond3A : i32
      scf.if %cond3A_101 {
        %dma_wait3A_297 = arith.constant 0 : i32
        %dma_wait3A_298 = arith.constant 0 : i32
        %dma_wait3A_299 = tpu.memref_slice %arg5[%mul3A_2, %dma_wait3A_297, %dma_wait3A_298] : memref<4096x200x64xf32, #tpu.memory_space<hbm>> -> memref<128x1x64xf32, #tpu.memory_space<hbm>>
        %dma_wait3A_300 = arith.constant 0 : i32
        %dma_wait3A_301 = arith.constant 0 : i32
        %dma_wait3A_302 = tpu.memref_slice %arg5[%mul3A_2, %dma_wait3A_300, %dma_wait3A_301] : memref<4096x200x64xf32, #tpu.memory_space<hbm>> -> memref<128x1x64xf32, #tpu.memory_space<hbm>>
        tpu.wait_dma2 semaphore(%arg20 : memref<!tpu.dma_semaphore, #tpu.memory_space<semaphore_mem>>) src(%arg12 : memref<128x1x64xf32, #tpu.memory_space<vmem>>) dst(%dma_wait3A_302 : memref<128x1x64xf32, #tpu.memory_space<hbm>>)
      } else {
      }
      %get3A = arith.index_cast %add3A_92 : i32 to index
      %get3A_102 = arith.constant 0 : index
      %get3A_103 = tpu.vector_load %arg7[%get3A, %get3A_102] {strides = array<i32>} : memref<200x64xf32, #tpu.memory_space<vmem>>, vector<1x16xf32>,
      %get3A_104 = vector.shape_cast %get3A_103 : vector<1x16xf32> to vector<16xf32>
      %get3A_105 = arith.index_cast %add3A_92 : i32 to index
      %get3A_106 = arith.constant 16 : index
      %get3A_107 = tpu.vector_load %arg7[%get3A_105, %get3A_106] {strides = array<i32>} : memref<200x64xf32, #tpu.memory_space<vmem>>, vector<1x16xf32>,
      %get3A_108 = vector.shape_cast %get3A_107 : vector<1x16xf32> to vector<16xf32>
      %get3A_109 = arith.index_cast %add3A_92 : i32 to index
      %get3A_110 = arith.constant 32 : index
      %get3A_111 = tpu.vector_load %arg7[%get3A_109, %get3A_110] {strides = array<i32>} : memref<200x64xf32, #tpu.memory_space<vmem>>, vector<1x16xf32>,
      %get3A_112 = vector.shape_cast %get3A_111 : vector<1x16xf32> to vector<16xf32>
      %get3A_113 = arith.index_cast %add3A_92 : i32 to index
      %get3A_114 = arith.constant 48 : index
      %get3A_115 = tpu.vector_load %arg7[%get3A_113, %get3A_114] {strides = array<i32>} : memref<200x64xf32, #tpu.memory_space<vmem>>, vector<1x16xf32>,
      %get3A_116 = vector.shape_cast %get3A_115 : vector<1x16xf32> to vector<16xf32>
      %scan3A_117 = arith.constant 0 : i32
      %scan3A_118 = arith.constant 0 : i32
      %scan3A_119 = arith.constant 32 : i32
      %scan3A_120 = arith.addi %scan3A_118, %scan3A_119 : i32
      %scan3A_121 = arith.constant 1 : i32
      %scan3A_122 = scf.for %scan3A_297 = %scan3A_118 to %scan3A_120 step %scan3A_121 iter_args(%scan3A_298 = %scan3A_117) -> (i32)  : i32 {
        %mul3A_299 = arith.constant 4 : i32
        %mul3A_300 = arith.muli %mul3A_299, %scan3A_297 : i32
        %add3A_301 = arith.constant 0 : i32
        %add3A_302 = arith.addi %mul3A_300, %add3A_301 : i32
        %get3A_303 = arith.index_cast %add3A_302 : i32 to index
        %get3A_304 = arith.constant 0 : index
        %get3A_305 = tpu.vector_load %arg8[%get3A_303, %get3A_304] {strides = array<i32>} : memref<128x64xf32, #tpu.memory_space<vmem>>, vector<1x16xf32>,
        %get3A_306 = vector.shape_cast %get3A_305 : vector<1x16xf32> to vector<16xf32>
        %add3A_307 = arith.addf %get3A_306, %get3A_104 : vector<16xf32>
        %add3A_308 = arith.constant 0 : i32
        %add3A_309 = arith.addi %mul3A_300, %add3A_308 : i32
        %swap3A = arith.constant 0 : i32
        %swap3A_310 = arith.index_cast %add3A_309 : i32 to index
        %swap3A_311 = arith.index_cast %swap3A : i32 to index
        %swap3A_312 = arith.constant 0 : index
        %swap3A_313 = tpu.vector_load %arg12[%swap3A_310, %swap3A_311, %swap3A_312] {strides = array<i32>} : memref<128x1x64xf32, #tpu.memory_space<vmem>>, vector<1x1x16xf32>,
        %swap3A_314 = vector.shape_cast %swap3A_313 : vector<1x1x16xf32> to vector<16xf32>
        %swap3A_315 = vector.shape_cast %add3A_307 : vector<16xf32> to vector<1x1x16xf32>
        tpu.vector_store %arg12[%swap3A_310, %swap3A_311, %swap3A_312], %swap3A_315 {strides = array<i32>} : memref<128x1x64xf32, #tpu.memory_space<vmem>>, vector<1x1x16xf32>,
        %add3A_316 = arith.constant 0 : i32
        %add3A_317 = arith.addi %mul3A_300, %add3A_316 : i32
        %get3A_318 = arith.index_cast %add3A_317 : i32 to index
        %get3A_319 = arith.constant 16 : index
        %get3A_320 = tpu.vector_load %arg8[%get3A_318, %get3A_319] {strides = array<i32>} : memref<128x64xf32, #tpu.memory_space<vmem>>, vector<1x16xf32>,
        %get3A_321 = vector.shape_cast %get3A_320 : vector<1x16xf32> to vector<16xf32>
        %add3A_322 = arith.addf %get3A_321, %get3A_108 : vector<16xf32>
        %add3A_323 = arith.constant 0 : i32
        %add3A_324 = arith.addi %mul3A_300, %add3A_323 : i32
        %swap3A_325 = arith.constant 0 : i32
        %swap3A_326 = arith.index_cast %add3A_324 : i32 to index
        %swap3A_327 = arith.index_cast %swap3A_325 : i32 to index
        %swap3A_328 = arith.constant 16 : index
        %swap3A_329 = tpu.vector_load %arg12[%swap3A_326, %swap3A_327, %swap3A_328] {strides = array<i32>} : memref<128x1x64xf32, #tpu.memory_space<vmem>>, vector<1x1x16xf32>,
        %swap3A_330 = vector.shape_cast %swap3A_329 : vector<1x1x16xf32> to vector<16xf32>
        %swap3A_331 = vector.shape_cast %add3A_322 : vector<16xf32> to vector<1x1x16xf32>
        tpu.vector_store %arg12[%swap3A_326, %swap3A_327, %swap3A_328], %swap3A_331 {strides = array<i32>} : memref<128x1x64xf32, #tpu.memory_space<vmem>>, vector<1x1x16xf32>,
        %add3A_332 = arith.constant 0 : i32
        %add3A_333 = arith.addi %mul3A_300, %add3A_332 : i32
        %get3A_334 = arith.index_cast %add3A_333 : i32 to index
        %get3A_335 = arith.constant 32 : index
        %get3A_336 = tpu.vector_load %arg8[%get3A_334, %get3A_335] {strides = array<i32>} : memref<128x64xf32, #tpu.memory_space<vmem>>, vector<1x16xf32>,
        %get3A_337 = vector.shape_cast %get3A_336 : vector<1x16xf32> to vector<16xf32>
        %add3A_338 = arith.addf %get3A_337, %get3A_112 : vector<16xf32>
        %add3A_339 = arith.constant 0 : i32
        %add3A_340 = arith.addi %mul3A_300, %add3A_339 : i32
        %swap3A_341 = arith.constant 0 : i32
        %swap3A_342 = arith.index_cast %add3A_340 : i32 to index
        %swap3A_343 = arith.index_cast %swap3A_341 : i32 to index
        %swap3A_344 = arith.constant 32 : index
        %swap3A_345 = tpu.vector_load %arg12[%swap3A_342, %swap3A_343, %swap3A_344] {strides = array<i32>} : memref<128x1x64xf32, #tpu.memory_space<vmem>>, vector<1x1x16xf32>,
        %swap3A_346 = vector.shape_cast %swap3A_345 : vector<1x1x16xf32> to vector<16xf32>
        %swap3A_347 = vector.shape_cast %add3A_338 : vector<16xf32> to vector<1x1x16xf32>
        tpu.vector_store %arg12[%swap3A_342, %swap3A_343, %swap3A_344], %swap3A_347 {strides = array<i32>} : memref<128x1x64xf32, #tpu.memory_space<vmem>>, vector<1x1x16xf32>,
        %add3A_348 = arith.constant 0 : i32
        %add3A_349 = arith.addi %mul3A_300, %add3A_348 : i32
        %get3A_350 = arith.index_cast %add3A_349 : i32 to index
        %get3A_351 = arith.constant 48 : index
        %get3A_352 = tpu.vector_load %arg8[%get3A_350, %get3A_351] {strides = array<i32>} : memref<128x64xf32, #tpu.memory_space<vmem>>, vector<1x16xf32>,
        %get3A_353 = vector.shape_cast %get3A_352 : vector<1x16xf32> to vector<16xf32>
        %add3A_354 = arith.addf %get3A_353, %get3A_116 : vector<16xf32>
        %add3A_355 = arith.constant 0 : i32
        %add3A_356 = arith.addi %mul3A_300, %add3A_355 : i32
        %swap3A_357 = arith.constant 0 : i32
        %swap3A_358 = arith.index_cast %add3A_356 : i32 to index
        %swap3A_359 = arith.index_cast %swap3A_357 : i32 to index
        %swap3A_360 = arith.constant 48 : index
        %swap3A_361 = tpu.vector_load %arg12[%swap3A_358, %swap3A_359, %swap3A_360] {strides = array<i32>} : memref<128x1x64xf32, #tpu.memory_space<vmem>>, vector<1x1x16xf32>,
        %swap3A_362 = vector.shape_cast %swap3A_361 : vector<1x1x16xf32> to vector<16xf32>
        %swap3A_363 = vector.shape_cast %add3A_354 : vector<16xf32> to vector<1x1x16xf32>
        tpu.vector_store %arg12[%swap3A_358, %swap3A_359, %swap3A_360], %swap3A_363 {strides = array<i32>} : memref<128x1x64xf32, #tpu.memory_space<vmem>>, vector<1x1x16xf32>,
        %add3A_364 = arith.constant 1 : i32
        %add3A_365 = arith.addi %mul3A_300, %add3A_364 : i32
        %get3A_366 = arith.index_cast %add3A_365 : i32 to index
        %get3A_367 = arith.constant 0 : index
        %get3A_368 = tpu.vector_load %arg8[%get3A_366, %get3A_367] {strides = array<i32>} : memref<128x64xf32, #tpu.memory_space<vmem>>, vector<1x16xf32>,
        %get3A_369 = vector.shape_cast %get3A_368 : vector<1x16xf32> to vector<16xf32>
        %add3A_370 = arith.addf %get3A_369, %get3A_104 : vector<16xf32>
        %add3A_371 = arith.constant 1 : i32
        %add3A_372 = arith.addi %mul3A_300, %add3A_371 : i32
        %swap3A_373 = arith.constant 0 : i32
        %swap3A_374 = arith.index_cast %add3A_372 : i32 to index
        %swap3A_375 = arith.index_cast %swap3A_373 : i32 to index
        %swap3A_376 = arith.constant 0 : index
        %swap3A_377 = tpu.vector_load %arg12[%swap3A_374, %swap3A_375, %swap3A_376] {strides = array<i32>} : memref<128x1x64xf32, #tpu.memory_space<vmem>>, vector<1x1x16xf32>,
        %swap3A_378 = vector.shape_cast %swap3A_377 : vector<1x1x16xf32> to vector<16xf32>
        %swap3A_379 = vector.shape_cast %add3A_370 : vector<16xf32> to vector<1x1x16xf32>
        tpu.vector_store %arg12[%swap3A_374, %swap3A_375, %swap3A_376], %swap3A_379 {strides = array<i32>} : memref<128x1x64xf32, #tpu.memory_space<vmem>>, vector<1x1x16xf32>,
        %add3A_380 = arith.constant 1 : i32
        %add3A_381 = arith.addi %mul3A_300, %add3A_380 : i32
        %get3A_382 = arith.index_cast %add3A_381 : i32 to index
        %get3A_383 = arith.constant 16 : index
        %get3A_384 = tpu.vector_load %arg8[%get3A_382, %get3A_383] {strides = array<i32>} : memref<128x64xf32, #tpu.memory_space<vmem>>, vector<1x16xf32>,
        %get3A_385 = vector.shape_cast %get3A_384 : vector<1x16xf32> to vector<16xf32>
        %add3A_386 = arith.addf %get3A_385, %get3A_108 : vector<16xf32>
        %add3A_387 = arith.constant 1 : i32
        %add3A_388 = arith.addi %mul3A_300, %add3A_387 : i32
        %swap3A_389 = arith.constant 0 : i32
        %swap3A_390 = arith.index_cast %add3A_388 : i32 to index
        %swap3A_391 = arith.index_cast %swap3A_389 : i32 to index
        %swap3A_392 = arith.constant 16 : index
        %swap3A_393 = tpu.vector_load %arg12[%swap3A_390, %swap3A_391, %swap3A_392] {strides = array<i32>} : memref<128x1x64xf32, #tpu.memory_space<vmem>>, vector<1x1x16xf32>,
        %swap3A_394 = vector.shape_cast %swap3A_393 : vector<1x1x16xf32> to vector<16xf32>
        %swap3A_395 = vector.shape_cast %add3A_386 : vector<16xf32> to vector<1x1x16xf32>
        tpu.vector_store %arg12[%swap3A_390, %swap3A_391, %swap3A_392], %swap3A_395 {strides = array<i32>} : memref<128x1x64xf32, #tpu.memory_space<vmem>>, vector<1x1x16xf32>,
        %add3A_396 = arith.constant 1 : i32
        %add3A_397 = arith.addi %mul3A_300, %add3A_396 : i32
        %get3A_398 = arith.index_cast %add3A_397 : i32 to index
        %get3A_399 = arith.constant 32 : index
        %get3A_400 = tpu.vector_load %arg8[%get3A_398, %get3A_399] {strides = array<i32>} : memref<128x64xf32, #tpu.memory_space<vmem>>, vector<1x16xf32>,
        %get3A_401 = vector.shape_cast %get3A_400 : vector<1x16xf32> to vector<16xf32>
        %add3A_402 = arith.addf %get3A_401, %get3A_112 : vector<16xf32>
        %add3A_403 = arith.constant 1 : i32
        %add3A_404 = arith.addi %mul3A_300, %add3A_403 : i32
        %swap3A_405 = arith.constant 0 : i32
        %swap3A_406 = arith.index_cast %add3A_404 : i32 to index
        %swap3A_407 = arith.index_cast %swap3A_405 : i32 to index
        %swap3A_408 = arith.constant 32 : index
        %swap3A_409 = tpu.vector_load %arg12[%swap3A_406, %swap3A_407, %swap3A_408] {strides = array<i32>} : memref<128x1x64xf32, #tpu.memory_space<vmem>>, vector<1x1x16xf32>,
        %swap3A_410 = vector.shape_cast %swap3A_409 : vector<1x1x16xf32> to vector<16xf32>
        %swap3A_411 = vector.shape_cast %add3A_402 : vector<16xf32> to vector<1x1x16xf32>
        tpu.vector_store %arg12[%swap3A_406, %swap3A_407, %swap3A_408], %swap3A_411 {strides = array<i32>} : memref<128x1x64xf32, #tpu.memory_space<vmem>>, vector<1x1x16xf32>,
        %add3A_412 = arith.constant 1 : i32
        %add3A_413 = arith.addi %mul3A_300, %add3A_412 : i32
        %get3A_414 = arith.index_cast %add3A_413 : i32 to index
        %get3A_415 = arith.constant 48 : index
        %get3A_416 = tpu.vector_load %arg8[%get3A_414, %get3A_415] {strides = array<i32>} : memref<128x64xf32, #tpu.memory_space<vmem>>, vector<1x16xf32>,
        %get3A_417 = vector.shape_cast %get3A_416 : vector<1x16xf32> to vector<16xf32>
        %add3A_418 = arith.addf %get3A_417, %get3A_116 : vector<16xf32>
        %add3A_419 = arith.constant 1 : i32
        %add3A_420 = arith.addi %mul3A_300, %add3A_419 : i32
        %swap3A_421 = arith.constant 0 : i32
        %swap3A_422 = arith.index_cast %add3A_420 : i32 to index
        %swap3A_423 = arith.index_cast %swap3A_421 : i32 to index
        %swap3A_424 = arith.constant 48 : index
        %swap3A_425 = tpu.vector_load %arg12[%swap3A_422, %swap3A_423, %swap3A_424] {strides = array<i32>} : memref<128x1x64xf32, #tpu.memory_space<vmem>>, vector<1x1x16xf32>,
        %swap3A_426 = vector.shape_cast %swap3A_425 : vector<1x1x16xf32> to vector<16xf32>
        %swap3A_427 = vector.shape_cast %add3A_418 : vector<16xf32> to vector<1x1x16xf32>
        tpu.vector_store %arg12[%swap3A_422, %swap3A_423, %swap3A_424], %swap3A_427 {strides = array<i32>} : memref<128x1x64xf32, #tpu.memory_space<vmem>>, vector<1x1x16xf32>,
        %add3A_428 = arith.constant 2 : i32
        %add3A_429 = arith.addi %mul3A_300, %add3A_428 : i32
        %get3A_430 = arith.index_cast %add3A_429 : i32 to index
        %get3A_431 = arith.constant 0 : index
        %get3A_432 = tpu.vector_load %arg8[%get3A_430, %get3A_431] {strides = array<i32>} : memref<128x64xf32, #tpu.memory_space<vmem>>, vector<1x16xf32>,
        %get3A_433 = vector.shape_cast %get3A_432 : vector<1x16xf32> to vector<16xf32>
        %add3A_434 = arith.addf %get3A_433, %get3A_104 : vector<16xf32>
        %add3A_435 = arith.constant 2 : i32
        %add3A_436 = arith.addi %mul3A_300, %add3A_435 : i32
        %swap3A_437 = arith.constant 0 : i32
        %swap3A_438 = arith.index_cast %add3A_436 : i32 to index
        %swap3A_439 = arith.index_cast %swap3A_437 : i32 to index
        %swap3A_440 = arith.constant 0 : index
        %swap3A_441 = tpu.vector_load %arg12[%swap3A_438, %swap3A_439, %swap3A_440] {strides = array<i32>} : memref<128x1x64xf32, #tpu.memory_space<vmem>>, vector<1x1x16xf32>,
        %swap3A_442 = vector.shape_cast %swap3A_441 : vector<1x1x16xf32> to vector<16xf32>
        %swap3A_443 = vector.shape_cast %add3A_434 : vector<16xf32> to vector<1x1x16xf32>
        tpu.vector_store %arg12[%swap3A_438, %swap3A_439, %swap3A_440], %swap3A_443 {strides = array<i32>} : memref<128x1x64xf32, #tpu.memory_space<vmem>>, vector<1x1x16xf32>,
        %add3A_444 = arith.constant 2 : i32
        %add3A_445 = arith.addi %mul3A_300, %add3A_444 : i32
        %get3A_446 = arith.index_cast %add3A_445 : i32 to index
        %get3A_447 = arith.constant 16 : index
        %get3A_448 = tpu.vector_load %arg8[%get3A_446, %get3A_447] {strides = array<i32>} : memref<128x64xf32, #tpu.memory_space<vmem>>, vector<1x16xf32>,
        %get3A_449 = vector.shape_cast %get3A_448 : vector<1x16xf32> to vector<16xf32>
        %add3A_450 = arith.addf %get3A_449, %get3A_108 : vector<16xf32>
        %add3A_451 = arith.constant 2 : i32
        %add3A_452 = arith.addi %mul3A_300, %add3A_451 : i32
        %swap3A_453 = arith.constant 0 : i32
        %swap3A_454 = arith.index_cast %add3A_452 : i32 to index
        %swap3A_455 = arith.index_cast %swap3A_453 : i32 to index
        %swap3A_456 = arith.constant 16 : index
        %swap3A_457 = tpu.vector_load %arg12[%swap3A_454, %swap3A_455, %swap3A_456] {strides = array<i32>} : memref<128x1x64xf32, #tpu.memory_space<vmem>>, vector<1x1x16xf32>,
        %swap3A_458 = vector.shape_cast %swap3A_457 : vector<1x1x16xf32> to vector<16xf32>
        %swap3A_459 = vector.shape_cast %add3A_450 : vector<16xf32> to vector<1x1x16xf32>
        tpu.vector_store %arg12[%swap3A_454, %swap3A_455, %swap3A_456], %swap3A_459 {strides = array<i32>} : memref<128x1x64xf32, #tpu.memory_space<vmem>>, vector<1x1x16xf32>,
        %add3A_460 = arith.constant 2 : i32
        %add3A_461 = arith.addi %mul3A_300, %add3A_460 : i32
        %get3A_462 = arith.index_cast %add3A_461 : i32 to index
        %get3A_463 = arith.constant 32 : index
        %get3A_464 = tpu.vector_load %arg8[%get3A_462, %get3A_463] {strides = array<i32>} : memref<128x64xf32, #tpu.memory_space<vmem>>, vector<1x16xf32>,
        %get3A_465 = vector.shape_cast %get3A_464 : vector<1x16xf32> to vector<16xf32>
        %add3A_466 = arith.addf %get3A_465, %get3A_112 : vector<16xf32>
        %add3A_467 = arith.constant 2 : i32
        %add3A_468 = arith.addi %mul3A_300, %add3A_467 : i32
        %swap3A_469 = arith.constant 0 : i32
        %swap3A_470 = arith.index_cast %add3A_468 : i32 to index
        %swap3A_471 = arith.index_cast %swap3A_469 : i32 to index
        %swap3A_472 = arith.constant 32 : index
        %swap3A_473 = tpu.vector_load %arg12[%swap3A_470, %swap3A_471, %swap3A_472] {strides = array<i32>} : memref<128x1x64xf32, #tpu.memory_space<vmem>>, vector<1x1x16xf32>,
        %swap3A_474 = vector.shape_cast %swap3A_473 : vector<1x1x16xf32> to vector<16xf32>
        %swap3A_475 = vector.shape_cast %add3A_466 : vector<16xf32> to vector<1x1x16xf32>
        tpu.vector_store %arg12[%swap3A_470, %swap3A_471, %swap3A_472], %swap3A_475 {strides = array<i32>} : memref<128x1x64xf32, #tpu.memory_space<vmem>>, vector<1x1x16xf32>,
        %add3A_476 = arith.constant 2 : i32
        %add3A_477 = arith.addi %mul3A_300, %add3A_476 : i32
        %get3A_478 = arith.index_cast %add3A_477 : i32 to index
        %get3A_479 = arith.constant 48 : index
        %get3A_480 = tpu.vector_load %arg8[%get3A_478, %get3A_479] {strides = array<i32>} : memref<128x64xf32, #tpu.memory_space<vmem>>, vector<1x16xf32>,
        %get3A_481 = vector.shape_cast %get3A_480 : vector<1x16xf32> to vector<16xf32>
        %add3A_482 = arith.addf %get3A_481, %get3A_116 : vector<16xf32>
        %add3A_483 = arith.constant 2 : i32
        %add3A_484 = arith.addi %mul3A_300, %add3A_483 : i32
        %swap3A_485 = arith.constant 0 : i32
        %swap3A_486 = arith.index_cast %add3A_484 : i32 to index
        %swap3A_487 = arith.index_cast %swap3A_485 : i32 to index
        %swap3A_488 = arith.constant 48 : index
        %swap3A_489 = tpu.vector_load %arg12[%swap3A_486, %swap3A_487, %swap3A_488] {strides = array<i32>} : memref<128x1x64xf32, #tpu.memory_space<vmem>>, vector<1x1x16xf32>,
        %swap3A_490 = vector.shape_cast %swap3A_489 : vector<1x1x16xf32> to vector<16xf32>
        %swap3A_491 = vector.shape_cast %add3A_482 : vector<16xf32> to vector<1x1x16xf32>
        tpu.vector_store %arg12[%swap3A_486, %swap3A_487, %swap3A_488], %swap3A_491 {strides = array<i32>} : memref<128x1x64xf32, #tpu.memory_space<vmem>>, vector<1x1x16xf32>,
        %add3A_492 = arith.constant 3 : i32
        %add3A_493 = arith.addi %mul3A_300, %add3A_492 : i32
        %get3A_494 = arith.index_cast %add3A_493 : i32 to index
        %get3A_495 = arith.constant 0 : index
        %get3A_496 = tpu.vector_load %arg8[%get3A_494, %get3A_495] {strides = array<i32>} : memref<128x64xf32, #tpu.memory_space<vmem>>, vector<1x16xf32>,
        %get3A_497 = vector.shape_cast %get3A_496 : vector<1x16xf32> to vector<16xf32>
        %add3A_498 = arith.addf %get3A_497, %get3A_104 : vector<16xf32>
        %add3A_499 = arith.constant 3 : i32
        %add3A_500 = arith.addi %mul3A_300, %add3A_499 : i32
        %swap3A_501 = arith.constant 0 : i32
        %swap3A_502 = arith.index_cast %add3A_500 : i32 to index
        %swap3A_503 = arith.index_cast %swap3A_501 : i32 to index
        %swap3A_504 = arith.constant 0 : index
        %swap3A_505 = tpu.vector_load %arg12[%swap3A_502, %swap3A_503, %swap3A_504] {strides = array<i32>} : memref<128x1x64xf32, #tpu.memory_space<vmem>>, vector<1x1x16xf32>,
        %swap3A_506 = vector.shape_cast %swap3A_505 : vector<1x1x16xf32> to vector<16xf32>
        %swap3A_507 = vector.shape_cast %add3A_498 : vector<16xf32> to vector<1x1x16xf32>
        tpu.vector_store %arg12[%swap3A_502, %swap3A_503, %swap3A_504], %swap3A_507 {strides = array<i32>} : memref<128x1x64xf32, #tpu.memory_space<vmem>>, vector<1x1x16xf32>,
        %add3A_508 = arith.constant 3 : i32
        %add3A_509 = arith.addi %mul3A_300, %add3A_508 : i32
        %get3A_510 = arith.index_cast %add3A_509 : i32 to index
        %get3A_511 = arith.constant 16 : index
        %get3A_512 = tpu.vector_load %arg8[%get3A_510, %get3A_511] {strides = array<i32>} : memref<128x64xf32, #tpu.memory_space<vmem>>, vector<1x16xf32>,
        %get3A_513 = vector.shape_cast %get3A_512 : vector<1x16xf32> to vector<16xf32>
        %add3A_514 = arith.addf %get3A_513, %get3A_108 : vector<16xf32>
        %add3A_515 = arith.constant 3 : i32
        %add3A_516 = arith.addi %mul3A_300, %add3A_515 : i32
        %swap3A_517 = arith.constant 0 : i32
        %swap3A_518 = arith.index_cast %add3A_516 : i32 to index
        %swap3A_519 = arith.index_cast %swap3A_517 : i32 to index
        %swap3A_520 = arith.constant 16 : index
        %swap3A_521 = tpu.vector_load %arg12[%swap3A_518, %swap3A_519, %swap3A_520] {strides = array<i32>} : memref<128x1x64xf32, #tpu.memory_space<vmem>>, vector<1x1x16xf32>,
        %swap3A_522 = vector.shape_cast %swap3A_521 : vector<1x1x16xf32> to vector<16xf32>
        %swap3A_523 = vector.shape_cast %add3A_514 : vector<16xf32> to vector<1x1x16xf32>
        tpu.vector_store %arg12[%swap3A_518, %swap3A_519, %swap3A_520], %swap3A_523 {strides = array<i32>} : memref<128x1x64xf32, #tpu.memory_space<vmem>>, vector<1x1x16xf32>,
        %add3A_524 = arith.constant 3 : i32
        %add3A_525 = arith.addi %mul3A_300, %add3A_524 : i32
        %get3A_526 = arith.index_cast %add3A_525 : i32 to index
        %get3A_527 = arith.constant 32 : index
        %get3A_528 = tpu.vector_load %arg8[%get3A_526, %get3A_527] {strides = array<i32>} : memref<128x64xf32, #tpu.memory_space<vmem>>, vector<1x16xf32>,
        %get3A_529 = vector.shape_cast %get3A_528 : vector<1x16xf32> to vector<16xf32>
        %add3A_530 = arith.addf %get3A_529, %get3A_112 : vector<16xf32>
        %add3A_531 = arith.constant 3 : i32
        %add3A_532 = arith.addi %mul3A_300, %add3A_531 : i32
        %swap3A_533 = arith.constant 0 : i32
        %swap3A_534 = arith.index_cast %add3A_532 : i32 to index
        %swap3A_535 = arith.index_cast %swap3A_533 : i32 to index
        %swap3A_536 = arith.constant 32 : index
        %swap3A_537 = tpu.vector_load %arg12[%swap3A_534, %swap3A_535, %swap3A_536] {strides = array<i32>} : memref<128x1x64xf32, #tpu.memory_space<vmem>>, vector<1x1x16xf32>,
        %swap3A_538 = vector.shape_cast %swap3A_537 : vector<1x1x16xf32> to vector<16xf32>
        %swap3A_539 = vector.shape_cast %add3A_530 : vector<16xf32> to vector<1x1x16xf32>
        tpu.vector_store %arg12[%swap3A_534, %swap3A_535, %swap3A_536], %swap3A_539 {strides = array<i32>} : memref<128x1x64xf32, #tpu.memory_space<vmem>>, vector<1x1x16xf32>,
        %add3A_540 = arith.constant 3 : i32
        %add3A_541 = arith.addi %mul3A_300, %add3A_540 : i32
        %get3A_542 = arith.index_cast %add3A_541 : i32 to index
        %get3A_543 = arith.constant 48 : index
        %get3A_544 = tpu.vector_load %arg8[%get3A_542, %get3A_543] {strides = array<i32>} : memref<128x64xf32, #tpu.memory_space<vmem>>, vector<1x16xf32>,
        %get3A_545 = vector.shape_cast %get3A_544 : vector<1x16xf32> to vector<16xf32>
        %add3A_546 = arith.addf %get3A_545, %get3A_116 : vector<16xf32>
        %add3A_547 = arith.constant 3 : i32
        %add3A_548 = arith.addi %mul3A_300, %add3A_547 : i32
        %swap3A_549 = arith.constant 0 : i32
        %swap3A_550 = arith.index_cast %add3A_548 : i32 to index
        %swap3A_551 = arith.index_cast %swap3A_549 : i32 to index
        %swap3A_552 = arith.constant 48 : index
        %swap3A_553 = tpu.vector_load %arg12[%swap3A_550, %swap3A_551, %swap3A_552] {strides = array<i32>} : memref<128x1x64xf32, #tpu.memory_space<vmem>>, vector<1x1x16xf32>,
        %swap3A_554 = vector.shape_cast %swap3A_553 : vector<1x1x16xf32> to vector<16xf32>
        %swap3A_555 = vector.shape_cast %add3A_546 : vector<16xf32> to vector<1x1x16xf32>
        tpu.vector_store %arg12[%swap3A_550, %swap3A_551, %swap3A_552], %swap3A_555 {strides = array<i32>} : memref<128x1x64xf32, #tpu.memory_space<vmem>>, vector<1x1x16xf32>,
        %scan3A_556 = arith.constant 0 : i32
        scf.yield %scan3A_556 : i32
      }
      %scan3A_123 = arith.constant 32 : i32
      %add3A_124 = arith.constant 4 : i32
      %add3A_125 = arith.addi %add3A_92, %add3A_124 : i32
      %min3A = arith.constant 199 : i32
      %min3A_126 = arith.minsi %add3A_125, %min3A : i32
      %dma_start3A_127 = arith.constant 0 : i32
      %dma_start3A_128 = tpu.memref_slice %arg6[%min3A_126, %dma_start3A_127] : memref<200x128xi32, #tpu.memory_space<vmem>> -> memref<1x128xi32, #tpu.memory_space<vmem>>
      %dma_start3A_129 = tpu.memref_squeeze %dma_start3A_128 : memref<1x128xi32, #tpu.memory_space<vmem>> -> memref<128xi32, #tpu.memory_space<vmem>>
      %dma_start3A_130 = arith.constant 0 : i32
      %dma_start3A_131 = arith.constant 0 : i32
      %dma_start3A_132 = tpu.memref_slice %arg2[%dma_start3A_130, %dma_start3A_131] : memref<100000x64xf32, #tpu.memory_space<hbm>> -> memref<100000x64xf32, #tpu.memory_space<hbm>>
      tpu.enqueue_indirect_dma source(%dma_start3A_132 : memref<100000x64xf32, #tpu.memory_space<hbm>>) target(%arg8 : memref<128x64xf32, #tpu.memory_space<vmem>>) offsets(%dma_start3A_129 : memref<128xi32, #tpu.memory_space<vmem>>) semaphore(%arg16 : memref<!tpu.dma_semaphore, #tpu.memory_space<semaphore_mem>>)
      %dma_start3A_133 = arith.constant 0 : i32
      %dma_start3A_134 = tpu.memref_slice %arg5[%mul3A_2, %add3A_92, %dma_start3A_133] : memref<4096x200x64xf32, #tpu.memory_space<hbm>> -> memref<128x1x64xf32, #tpu.memory_space<hbm>>
      %dma_start3A_135 = arith.constant 0 : i32
      %dma_start3A_136 = tpu.memref_slice %arg5[%mul3A_2, %add3A_92, %dma_start3A_135] : memref<4096x200x64xf32, #tpu.memory_space<hbm>> -> memref<128x1x64xf32, #tpu.memory_space<hbm>>
      tpu.enqueue_dma source(%arg12 : memref<128x1x64xf32, #tpu.memory_space<vmem>>) target(%dma_start3A_136 : memref<128x1x64xf32, #tpu.memory_space<hbm>>) target_semaphore(%arg20 : memref<!tpu.dma_semaphore, #tpu.memory_space<semaphore_mem>>)
      %mul3A_137 = arith.constant 4 : i32
      %mul3A_138 = arith.muli %mul3A_137, %scan3A_87 : i32
      %add3A_139 = arith.constant 1 : i32
      %add3A_140 = arith.addi %mul3A_138, %add3A_139 : i32
      %dma_wait3A_141 = arith.constant 0 : i32
      %dma_wait3A_142 = arith.constant 0 : i32
      %dma_wait3A_143 = tpu.memref_slice %arg6[%dma_wait3A_141, %dma_wait3A_142] : memref<200x128xi32, #tpu.memory_space<vmem>> -> memref<1x128xi32, #tpu.memory_space<vmem>>
      %dma_wait3A_144 = tpu.memref_squeeze %dma_wait3A_143 : memref<1x128xi32, #tpu.memory_space<vmem>> -> memref<128xi32, #tpu.memory_space<vmem>>
      %dma_wait3A_145 = arith.constant 0 : i32
      %dma_wait3A_146 = arith.constant 0 : i32
      %dma_wait3A_147 = tpu.memref_slice %arg2[%dma_wait3A_145, %dma_wait3A_146] : memref<100000x64xf32, #tpu.memory_space<hbm>> -> memref<100000x64xf32, #tpu.memory_space<hbm>>
      tpu.wait_indirect_dma semaphore(%arg17 : memref<!tpu.dma_semaphore, #tpu.memory_space<semaphore_mem>>) src(%dma_wait3A_147 : memref<100000x64xf32, #tpu.memory_space<hbm>>) dst(%arg9 : memref<128x64xf32, #tpu.memory_space<vmem>>)
      %gt3A_148 = arith.constant 0 : i32
      %gt3A_149 = arith.cmpi sgt, %scan3A_87, %gt3A_148 : i32
      %convert_element_type3A_150 = arith.extui %gt3A_149 : i1 to i32
      %cond3A_151 = arith.constant 0 : i32
      %cond3A_152 = arith.cmpi ne, %convert_element_type3A_150, %cond3A_151 : i32
      scf.if %cond3A_152 {
        %dma_wait3A_297 = arith.constant 0 : i32
        %dma_wait3A_298 = arith.constant 0 : i32
        %dma_wait3A_299 = tpu.memref_slice %arg5[%mul3A_2, %dma_wait3A_297, %dma_wait3A_298] : memref<4096x200x64xf32, #tpu.memory_space<hbm>> -> memref<128x1x64xf32, #tpu.memory_space<hbm>>
        %dma_wait3A_300 = arith.constant 0 : i32
        %dma_wait3A_301 = arith.constant 0 : i32
        %dma_wait3A_302 = tpu.memref_slice %arg5[%mul3A_2, %dma_wait3A_300, %dma_wait3A_301] : memref<4096x200x64xf32, #tpu.memory_space<hbm>> -> memref<128x1x64xf32, #tpu.memory_space<hbm>>
        tpu.wait_dma2 semaphore(%arg21 : memref<!tpu.dma_semaphore, #tpu.memory_space<semaphore_mem>>) src(%arg13 : memref<128x1x64xf32, #tpu.memory_space<vmem>>) dst(%dma_wait3A_302 : memref<128x1x64xf32, #tpu.memory_space<hbm>>)
      } else {
      }
      %get3A_153 = arith.index_cast %add3A_140 : i32 to index
      %get3A_154 = arith.constant 0 : index
      %get3A_155 = tpu.vector_load %arg7[%get3A_153, %get3A_154] {strides = array<i32>} : memref<200x64xf32, #tpu.memory_space<vmem>>, vector<1x16xf32>,
      %get3A_156 = vector.shape_cast %get3A_155 : vector<1x16xf32> to vector<16xf32>
      %get3A_157 = arith.index_cast %add3A_140 : i32 to index
      %get3A_158 = arith.constant 16 : index
      %get3A_159 = tpu.vector_load %arg7[%get3A_157, %get3A_158] {strides = array<i32>} : memref<200x64xf32, #tpu.memory_space<vmem>>, vector<1x16xf32>,
      %get3A_160 = vector.shape_cast %get3A_159 : vector<1x16xf32> to vector<16xf32>
      %get3A_161 = arith.index_cast %add3A_140 : i32 to index
      %get3A_162 = arith.constant 32 : index
      %get3A_163 = tpu.vector_load %arg7[%get3A_161, %get3A_162] {strides = array<i32>} : memref<200x64xf32, #tpu.memory_space<vmem>>, vector<1x16xf32>,
      %get3A_164 = vector.shape_cast %get3A_163 : vector<1x16xf32> to vector<16xf32>
      %get3A_165 = arith.index_cast %add3A_140 : i32 to index
      %get3A_166 = arith.constant 48 : index
      %get3A_167 = tpu.vector_load %arg7[%get3A_165, %get3A_166] {strides = array<i32>} : memref<200x64xf32, #tpu.memory_space<vmem>>, vector<1x16xf32>,
      %get3A_168 = vector.shape_cast %get3A_167 : vector<1x16xf32> to vector<16xf32>
      %scan3A_169 = arith.constant 0 : i32
      %scan3A_170 = arith.constant 0 : i32
      %scan3A_171 = arith.constant 32 : i32
      %scan3A_172 = arith.addi %scan3A_170, %scan3A_171 : i32
      %scan3A_173 = arith.constant 1 : i32
      %scan3A_174 = scf.for %scan3A_297 = %scan3A_170 to %scan3A_172 step %scan3A_173 iter_args(%scan3A_298 = %scan3A_169) -> (i32)  : i32 {
        %mul3A_299 = arith.constant 4 : i32
        %mul3A_300 = arith.muli %mul3A_299, %scan3A_297 : i32
        %add3A_301 = arith.constant 0 : i32
        %add3A_302 = arith.addi %mul3A_300, %add3A_301 : i32
        %get3A_303 = arith.index_cast %add3A_302 : i32 to index
        %get3A_304 = arith.constant 0 : index
        %get3A_305 = tpu.vector_load %arg9[%get3A_303, %get3A_304] {strides = array<i32>} : memref<128x64xf32, #tpu.memory_space<vmem>>, vector<1x16xf32>,
        %get3A_306 = vector.shape_cast %get3A_305 : vector<1x16xf32> to vector<16xf32>
        %add3A_307 = arith.addf %get3A_306, %get3A_156 : vector<16xf32>
        %add3A_308 = arith.constant 0 : i32
        %add3A_309 = arith.addi %mul3A_300, %add3A_308 : i32
        %swap3A = arith.constant 0 : i32
        %swap3A_310 = arith.index_cast %add3A_309 : i32 to index
        %swap3A_311 = arith.index_cast %swap3A : i32 to index
        %swap3A_312 = arith.constant 0 : index
        %swap3A_313 = tpu.vector_load %arg13[%swap3A_310, %swap3A_311, %swap3A_312] {strides = array<i32>} : memref<128x1x64xf32, #tpu.memory_space<vmem>>, vector<1x1x16xf32>,
        %swap3A_314 = vector.shape_cast %swap3A_313 : vector<1x1x16xf32> to vector<16xf32>
        %swap3A_315 = vector.shape_cast %add3A_307 : vector<16xf32> to vector<1x1x16xf32>
        tpu.vector_store %arg13[%swap3A_310, %swap3A_311, %swap3A_312], %swap3A_315 {strides = array<i32>} : memref<128x1x64xf32, #tpu.memory_space<vmem>>, vector<1x1x16xf32>,
        %add3A_316 = arith.constant 0 : i32
        %add3A_317 = arith.addi %mul3A_300, %add3A_316 : i32
        %get3A_318 = arith.index_cast %add3A_317 : i32 to index
        %get3A_319 = arith.constant 16 : index
        %get3A_320 = tpu.vector_load %arg9[%get3A_318, %get3A_319] {strides = array<i32>} : memref<128x64xf32, #tpu.memory_space<vmem>>, vector<1x16xf32>,
        %get3A_321 = vector.shape_cast %get3A_320 : vector<1x16xf32> to vector<16xf32>
        %add3A_322 = arith.addf %get3A_321, %get3A_160 : vector<16xf32>
        %add3A_323 = arith.constant 0 : i32
        %add3A_324 = arith.addi %mul3A_300, %add3A_323 : i32
        %swap3A_325 = arith.constant 0 : i32
        %swap3A_326 = arith.index_cast %add3A_324 : i32 to index
        %swap3A_327 = arith.index_cast %swap3A_325 : i32 to index
        %swap3A_328 = arith.constant 16 : index
        %swap3A_329 = tpu.vector_load %arg13[%swap3A_326, %swap3A_327, %swap3A_328] {strides = array<i32>} : memref<128x1x64xf32, #tpu.memory_space<vmem>>, vector<1x1x16xf32>,
        %swap3A_330 = vector.shape_cast %swap3A_329 : vector<1x1x16xf32> to vector<16xf32>
        %swap3A_331 = vector.shape_cast %add3A_322 : vector<16xf32> to vector<1x1x16xf32>
        tpu.vector_store %arg13[%swap3A_326, %swap3A_327, %swap3A_328], %swap3A_331 {strides = array<i32>} : memref<128x1x64xf32, #tpu.memory_space<vmem>>, vector<1x1x16xf32>,
        %add3A_332 = arith.constant 0 : i32
        %add3A_333 = arith.addi %mul3A_300, %add3A_332 : i32
        %get3A_334 = arith.index_cast %add3A_333 : i32 to index
        %get3A_335 = arith.constant 32 : index
        %get3A_336 = tpu.vector_load %arg9[%get3A_334, %get3A_335] {strides = array<i32>} : memref<128x64xf32, #tpu.memory_space<vmem>>, vector<1x16xf32>,
        %get3A_337 = vector.shape_cast %get3A_336 : vector<1x16xf32> to vector<16xf32>
        %add3A_338 = arith.addf %get3A_337, %get3A_164 : vector<16xf32>
        %add3A_339 = arith.constant 0 : i32
        %add3A_340 = arith.addi %mul3A_300, %add3A_339 : i32
        %swap3A_341 = arith.constant 0 : i32
        %swap3A_342 = arith.index_cast %add3A_340 : i32 to index
        %swap3A_343 = arith.index_cast %swap3A_341 : i32 to index
        %swap3A_344 = arith.constant 32 : index
        %swap3A_345 = tpu.vector_load %arg13[%swap3A_342, %swap3A_343, %swap3A_344] {strides = array<i32>} : memref<128x1x64xf32, #tpu.memory_space<vmem>>, vector<1x1x16xf32>,
        %swap3A_346 = vector.shape_cast %swap3A_345 : vector<1x1x16xf32> to vector<16xf32>
        %swap3A_347 = vector.shape_cast %add3A_338 : vector<16xf32> to vector<1x1x16xf32>
        tpu.vector_store %arg13[%swap3A_342, %swap3A_343, %swap3A_344], %swap3A_347 {strides = array<i32>} : memref<128x1x64xf32, #tpu.memory_space<vmem>>, vector<1x1x16xf32>,
        %add3A_348 = arith.constant 0 : i32
        %add3A_349 = arith.addi %mul3A_300, %add3A_348 : i32
        %get3A_350 = arith.index_cast %add3A_349 : i32 to index
        %get3A_351 = arith.constant 48 : index
        %get3A_352 = tpu.vector_load %arg9[%get3A_350, %get3A_351] {strides = array<i32>} : memref<128x64xf32, #tpu.memory_space<vmem>>, vector<1x16xf32>,
        %get3A_353 = vector.shape_cast %get3A_352 : vector<1x16xf32> to vector<16xf32>
        %add3A_354 = arith.addf %get3A_353, %get3A_168 : vector<16xf32>
        %add3A_355 = arith.constant 0 : i32
        %add3A_356 = arith.addi %mul3A_300, %add3A_355 : i32
        %swap3A_357 = arith.constant 0 : i32
        %swap3A_358 = arith.index_cast %add3A_356 : i32 to index
        %swap3A_359 = arith.index_cast %swap3A_357 : i32 to index
        %swap3A_360 = arith.constant 48 : index
        %swap3A_361 = tpu.vector_load %arg13[%swap3A_358, %swap3A_359, %swap3A_360] {strides = array<i32>} : memref<128x1x64xf32, #tpu.memory_space<vmem>>, vector<1x1x16xf32>,
        %swap3A_362 = vector.shape_cast %swap3A_361 : vector<1x1x16xf32> to vector<16xf32>
        %swap3A_363 = vector.shape_cast %add3A_354 : vector<16xf32> to vector<1x1x16xf32>
        tpu.vector_store %arg13[%swap3A_358, %swap3A_359, %swap3A_360], %swap3A_363 {strides = array<i32>} : memref<128x1x64xf32, #tpu.memory_space<vmem>>, vector<1x1x16xf32>,
        %add3A_364 = arith.constant 1 : i32
        %add3A_365 = arith.addi %mul3A_300, %add3A_364 : i32
        %get3A_366 = arith.index_cast %add3A_365 : i32 to index
        %get3A_367 = arith.constant 0 : index
        %get3A_368 = tpu.vector_load %arg9[%get3A_366, %get3A_367] {strides = array<i32>} : memref<128x64xf32, #tpu.memory_space<vmem>>, vector<1x16xf32>,
        %get3A_369 = vector.shape_cast %get3A_368 : vector<1x16xf32> to vector<16xf32>
        %add3A_370 = arith.addf %get3A_369, %get3A_156 : vector<16xf32>
        %add3A_371 = arith.constant 1 : i32
        %add3A_372 = arith.addi %mul3A_300, %add3A_371 : i32
        %swap3A_373 = arith.constant 0 : i32
        %swap3A_374 = arith.index_cast %add3A_372 : i32 to index
        %swap3A_375 = arith.index_cast %swap3A_373 : i32 to index
        %swap3A_376 = arith.constant 0 : index
        %swap3A_377 = tpu.vector_load %arg13[%swap3A_374, %swap3A_375, %swap3A_376] {strides = array<i32>} : memref<128x1x64xf32, #tpu.memory_space<vmem>>, vector<1x1x16xf32>,
        %swap3A_378 = vector.shape_cast %swap3A_377 : vector<1x1x16xf32> to vector<16xf32>
        %swap3A_379 = vector.shape_cast %add3A_370 : vector<16xf32> to vector<1x1x16xf32>
        tpu.vector_store %arg13[%swap3A_374, %swap3A_375, %swap3A_376], %swap3A_379 {strides = array<i32>} : memref<128x1x64xf32, #tpu.memory_space<vmem>>, vector<1x1x16xf32>,
        %add3A_380 = arith.constant 1 : i32
        %add3A_381 = arith.addi %mul3A_300, %add3A_380 : i32
        %get3A_382 = arith.index_cast %add3A_381 : i32 to index
        %get3A_383 = arith.constant 16 : index
        %get3A_384 = tpu.vector_load %arg9[%get3A_382, %get3A_383] {strides = array<i32>} : memref<128x64xf32, #tpu.memory_space<vmem>>, vector<1x16xf32>,
        %get3A_385 = vector.shape_cast %get3A_384 : vector<1x16xf32> to vector<16xf32>
        %add3A_386 = arith.addf %get3A_385, %get3A_160 : vector<16xf32>
        %add3A_387 = arith.constant 1 : i32
        %add3A_388 = arith.addi %mul3A_300, %add3A_387 : i32
        %swap3A_389 = arith.constant 0 : i32
        %swap3A_390 = arith.index_cast %add3A_388 : i32 to index
        %swap3A_391 = arith.index_cast %swap3A_389 : i32 to index
        %swap3A_392 = arith.constant 16 : index
        %swap3A_393 = tpu.vector_load %arg13[%swap3A_390, %swap3A_391, %swap3A_392] {strides = array<i32>} : memref<128x1x64xf32, #tpu.memory_space<vmem>>, vector<1x1x16xf32>,
        %swap3A_394 = vector.shape_cast %swap3A_393 : vector<1x1x16xf32> to vector<16xf32>
        %swap3A_395 = vector.shape_cast %add3A_386 : vector<16xf32> to vector<1x1x16xf32>
        tpu.vector_store %arg13[%swap3A_390, %swap3A_391, %swap3A_392], %swap3A_395 {strides = array<i32>} : memref<128x1x64xf32, #tpu.memory_space<vmem>>, vector<1x1x16xf32>,
        %add3A_396 = arith.constant 1 : i32
        %add3A_397 = arith.addi %mul3A_300, %add3A_396 : i32
        %get3A_398 = arith.index_cast %add3A_397 : i32 to index
        %get3A_399 = arith.constant 32 : index
        %get3A_400 = tpu.vector_load %arg9[%get3A_398, %get3A_399] {strides = array<i32>} : memref<128x64xf32, #tpu.memory_space<vmem>>, vector<1x16xf32>,
        %get3A_401 = vector.shape_cast %get3A_400 : vector<1x16xf32> to vector<16xf32>
        %add3A_402 = arith.addf %get3A_401, %get3A_164 : vector<16xf32>
        %add3A_403 = arith.constant 1 : i32
        %add3A_404 = arith.addi %mul3A_300, %add3A_403 : i32
        %swap3A_405 = arith.constant 0 : i32
        %swap3A_406 = arith.index_cast %add3A_404 : i32 to index
        %swap3A_407 = arith.index_cast %swap3A_405 : i32 to index
        %swap3A_408 = arith.constant 32 : index
        %swap3A_409 = tpu.vector_load %arg13[%swap3A_406, %swap3A_407, %swap3A_408] {strides = array<i32>} : memref<128x1x64xf32, #tpu.memory_space<vmem>>, vector<1x1x16xf32>,
        %swap3A_410 = vector.shape_cast %swap3A_409 : vector<1x1x16xf32> to vector<16xf32>
        %swap3A_411 = vector.shape_cast %add3A_402 : vector<16xf32> to vector<1x1x16xf32>
        tpu.vector_store %arg13[%swap3A_406, %swap3A_407, %swap3A_408], %swap3A_411 {strides = array<i32>} : memref<128x1x64xf32, #tpu.memory_space<vmem>>, vector<1x1x16xf32>,
        %add3A_412 = arith.constant 1 : i32
        %add3A_413 = arith.addi %mul3A_300, %add3A_412 : i32
        %get3A_414 = arith.index_cast %add3A_413 : i32 to index
        %get3A_415 = arith.constant 48 : index
        %get3A_416 = tpu.vector_load %arg9[%get3A_414, %get3A_415] {strides = array<i32>} : memref<128x64xf32, #tpu.memory_space<vmem>>, vector<1x16xf32>,
        %get3A_417 = vector.shape_cast %get3A_416 : vector<1x16xf32> to vector<16xf32>
        %add3A_418 = arith.addf %get3A_417, %get3A_168 : vector<16xf32>
        %add3A_419 = arith.constant 1 : i32
        %add3A_420 = arith.addi %mul3A_300, %add3A_419 : i32
        %swap3A_421 = arith.constant 0 : i32
        %swap3A_422 = arith.index_cast %add3A_420 : i32 to index
        %swap3A_423 = arith.index_cast %swap3A_421 : i32 to index
        %swap3A_424 = arith.constant 48 : index
        %swap3A_425 = tpu.vector_load %arg13[%swap3A_422, %swap3A_423, %swap3A_424] {strides = array<i32>} : memref<128x1x64xf32, #tpu.memory_space<vmem>>, vector<1x1x16xf32>,
        %swap3A_426 = vector.shape_cast %swap3A_425 : vector<1x1x16xf32> to vector<16xf32>
        %swap3A_427 = vector.shape_cast %add3A_418 : vector<16xf32> to vector<1x1x16xf32>
        tpu.vector_store %arg13[%swap3A_422, %swap3A_423, %swap3A_424], %swap3A_427 {strides = array<i32>} : memref<128x1x64xf32, #tpu.memory_space<vmem>>, vector<1x1x16xf32>,
        %add3A_428 = arith.constant 2 : i32
        %add3A_429 = arith.addi %mul3A_300, %add3A_428 : i32
        %get3A_430 = arith.index_cast %add3A_429 : i32 to index
        %get3A_431 = arith.constant 0 : index
        %get3A_432 = tpu.vector_load %arg9[%get3A_430, %get3A_431] {strides = array<i32>} : memref<128x64xf32, #tpu.memory_space<vmem>>, vector<1x16xf32>,
        %get3A_433 = vector.shape_cast %get3A_432 : vector<1x16xf32> to vector<16xf32>
        %add3A_434 = arith.addf %get3A_433, %get3A_156 : vector<16xf32>
        %add3A_435 = arith.constant 2 : i32
        %add3A_436 = arith.addi %mul3A_300, %add3A_435 : i32
        %swap3A_437 = arith.constant 0 : i32
        %swap3A_438 = arith.index_cast %add3A_436 : i32 to index
        %swap3A_439 = arith.index_cast %swap3A_437 : i32 to index
        %swap3A_440 = arith.constant 0 : index
        %swap3A_441 = tpu.vector_load %arg13[%swap3A_438, %swap3A_439, %swap3A_440] {strides = array<i32>} : memref<128x1x64xf32, #tpu.memory_space<vmem>>, vector<1x1x16xf32>,
        %swap3A_442 = vector.shape_cast %swap3A_441 : vector<1x1x16xf32> to vector<16xf32>
        %swap3A_443 = vector.shape_cast %add3A_434 : vector<16xf32> to vector<1x1x16xf32>
        tpu.vector_store %arg13[%swap3A_438, %swap3A_439, %swap3A_440], %swap3A_443 {strides = array<i32>} : memref<128x1x64xf32, #tpu.memory_space<vmem>>, vector<1x1x16xf32>,
        %add3A_444 = arith.constant 2 : i32
        %add3A_445 = arith.addi %mul3A_300, %add3A_444 : i32
        %get3A_446 = arith.index_cast %add3A_445 : i32 to index
        %get3A_447 = arith.constant 16 : index
        %get3A_448 = tpu.vector_load %arg9[%get3A_446, %get3A_447] {strides = array<i32>} : memref<128x64xf32, #tpu.memory_space<vmem>>, vector<1x16xf32>,
        %get3A_449 = vector.shape_cast %get3A_448 : vector<1x16xf32> to vector<16xf32>
        %add3A_450 = arith.addf %get3A_449, %get3A_160 : vector<16xf32>
        %add3A_451 = arith.constant 2 : i32
        %add3A_452 = arith.addi %mul3A_300, %add3A_451 : i32
        %swap3A_453 = arith.constant 0 : i32
        %swap3A_454 = arith.index_cast %add3A_452 : i32 to index
        %swap3A_455 = arith.index_cast %swap3A_453 : i32 to index
        %swap3A_456 = arith.constant 16 : index
        %swap3A_457 = tpu.vector_load %arg13[%swap3A_454, %swap3A_455, %swap3A_456] {strides = array<i32>} : memref<128x1x64xf32, #tpu.memory_space<vmem>>, vector<1x1x16xf32>,
        %swap3A_458 = vector.shape_cast %swap3A_457 : vector<1x1x16xf32> to vector<16xf32>
        %swap3A_459 = vector.shape_cast %add3A_450 : vector<16xf32> to vector<1x1x16xf32>
        tpu.vector_store %arg13[%swap3A_454, %swap3A_455, %swap3A_456], %swap3A_459 {strides = array<i32>} : memref<128x1x64xf32, #tpu.memory_space<vmem>>, vector<1x1x16xf32>,
        %add3A_460 = arith.constant 2 : i32
        %add3A_461 = arith.addi %mul3A_300, %add3A_460 : i32
        %get3A_462 = arith.index_cast %add3A_461 : i32 to index
        %get3A_463 = arith.constant 32 : index
        %get3A_464 = tpu.vector_load %arg9[%get3A_462, %get3A_463] {strides = array<i32>} : memref<128x64xf32, #tpu.memory_space<vmem>>, vector<1x16xf32>,
        %get3A_465 = vector.shape_cast %get3A_464 : vector<1x16xf32> to vector<16xf32>
        %add3A_466 = arith.addf %get3A_465, %get3A_164 : vector<16xf32>
        %add3A_467 = arith.constant 2 : i32
        %add3A_468 = arith.addi %mul3A_300, %add3A_467 : i32
        %swap3A_469 = arith.constant 0 : i32
        %swap3A_470 = arith.index_cast %add3A_468 : i32 to index
        %swap3A_471 = arith.index_cast %swap3A_469 : i32 to index
        %swap3A_472 = arith.constant 32 : index
        %swap3A_473 = tpu.vector_load %arg13[%swap3A_470, %swap3A_471, %swap3A_472] {strides = array<i32>} : memref<128x1x64xf32, #tpu.memory_space<vmem>>, vector<1x1x16xf32>,
        %swap3A_474 = vector.shape_cast %swap3A_473 : vector<1x1x16xf32> to vector<16xf32>
        %swap3A_475 = vector.shape_cast %add3A_466 : vector<16xf32> to vector<1x1x16xf32>
        tpu.vector_store %arg13[%swap3A_470, %swap3A_471, %swap3A_472], %swap3A_475 {strides = array<i32>} : memref<128x1x64xf32, #tpu.memory_space<vmem>>, vector<1x1x16xf32>,
        %add3A_476 = arith.constant 2 : i32
        %add3A_477 = arith.addi %mul3A_300, %add3A_476 : i32
        %get3A_478 = arith.index_cast %add3A_477 : i32 to index
        %get3A_479 = arith.constant 48 : index
        %get3A_480 = tpu.vector_load %arg9[%get3A_478, %get3A_479] {strides = array<i32>} : memref<128x64xf32, #tpu.memory_space<vmem>>, vector<1x16xf32>,
        %get3A_481 = vector.shape_cast %get3A_480 : vector<1x16xf32> to vector<16xf32>
        %add3A_482 = arith.addf %get3A_481, %get3A_168 : vector<16xf32>
        %add3A_483 = arith.constant 2 : i32
        %add3A_484 = arith.addi %mul3A_300, %add3A_483 : i32
        %swap3A_485 = arith.constant 0 : i32
        %swap3A_486 = arith.index_cast %add3A_484 : i32 to index
        %swap3A_487 = arith.index_cast %swap3A_485 : i32 to index
        %swap3A_488 = arith.constant 48 : index
        %swap3A_489 = tpu.vector_load %arg13[%swap3A_486, %swap3A_487, %swap3A_488] {strides = array<i32>} : memref<128x1x64xf32, #tpu.memory_space<vmem>>, vector<1x1x16xf32>,
        %swap3A_490 = vector.shape_cast %swap3A_489 : vector<1x1x16xf32> to vector<16xf32>
        %swap3A_491 = vector.shape_cast %add3A_482 : vector<16xf32> to vector<1x1x16xf32>
        tpu.vector_store %arg13[%swap3A_486, %swap3A_487, %swap3A_488], %swap3A_491 {strides = array<i32>} : memref<128x1x64xf32, #tpu.memory_space<vmem>>, vector<1x1x16xf32>,
        %add3A_492 = arith.constant 3 : i32
        %add3A_493 = arith.addi %mul3A_300, %add3A_492 : i32
        %get3A_494 = arith.index_cast %add3A_493 : i32 to index
        %get3A_495 = arith.constant 0 : index
        %get3A_496 = tpu.vector_load %arg9[%get3A_494, %get3A_495] {strides = array<i32>} : memref<128x64xf32, #tpu.memory_space<vmem>>, vector<1x16xf32>,
        %get3A_497 = vector.shape_cast %get3A_496 : vector<1x16xf32> to vector<16xf32>
        %add3A_498 = arith.addf %get3A_497, %get3A_156 : vector<16xf32>
        %add3A_499 = arith.constant 3 : i32
        %add3A_500 = arith.addi %mul3A_300, %add3A_499 : i32
        %swap3A_501 = arith.constant 0 : i32
        %swap3A_502 = arith.index_cast %add3A_500 : i32 to index
        %swap3A_503 = arith.index_cast %swap3A_501 : i32 to index
        %swap3A_504 = arith.constant 0 : index
        %swap3A_505 = tpu.vector_load %arg13[%swap3A_502, %swap3A_503, %swap3A_504] {strides = array<i32>} : memref<128x1x64xf32, #tpu.memory_space<vmem>>, vector<1x1x16xf32>,
        %swap3A_506 = vector.shape_cast %swap3A_505 : vector<1x1x16xf32> to vector<16xf32>
        %swap3A_507 = vector.shape_cast %add3A_498 : vector<16xf32> to vector<1x1x16xf32>
        tpu.vector_store %arg13[%swap3A_502, %swap3A_503, %swap3A_504], %swap3A_507 {strides = array<i32>} : memref<128x1x64xf32, #tpu.memory_space<vmem>>, vector<1x1x16xf32>,
        %add3A_508 = arith.constant 3 : i32
        %add3A_509 = arith.addi %mul3A_300, %add3A_508 : i32
        %get3A_510 = arith.index_cast %add3A_509 : i32 to index
        %get3A_511 = arith.constant 16 : index
        %get3A_512 = tpu.vector_load %arg9[%get3A_510, %get3A_511] {strides = array<i32>} : memref<128x64xf32, #tpu.memory_space<vmem>>, vector<1x16xf32>,
        %get3A_513 = vector.shape_cast %get3A_512 : vector<1x16xf32> to vector<16xf32>
        %add3A_514 = arith.addf %get3A_513, %get3A_160 : vector<16xf32>
        %add3A_515 = arith.constant 3 : i32
        %add3A_516 = arith.addi %mul3A_300, %add3A_515 : i32
        %swap3A_517 = arith.constant 0 : i32
        %swap3A_518 = arith.index_cast %add3A_516 : i32 to index
        %swap3A_519 = arith.index_cast %swap3A_517 : i32 to index
        %swap3A_520 = arith.constant 16 : index
        %swap3A_521 = tpu.vector_load %arg13[%swap3A_518, %swap3A_519, %swap3A_520] {strides = array<i32>} : memref<128x1x64xf32, #tpu.memory_space<vmem>>, vector<1x1x16xf32>,
        %swap3A_522 = vector.shape_cast %swap3A_521 : vector<1x1x16xf32> to vector<16xf32>
        %swap3A_523 = vector.shape_cast %add3A_514 : vector<16xf32> to vector<1x1x16xf32>
        tpu.vector_store %arg13[%swap3A_518, %swap3A_519, %swap3A_520], %swap3A_523 {strides = array<i32>} : memref<128x1x64xf32, #tpu.memory_space<vmem>>, vector<1x1x16xf32>,
        %add3A_524 = arith.constant 3 : i32
        %add3A_525 = arith.addi %mul3A_300, %add3A_524 : i32
        %get3A_526 = arith.index_cast %add3A_525 : i32 to index
        %get3A_527 = arith.constant 32 : index
        %get3A_528 = tpu.vector_load %arg9[%get3A_526, %get3A_527] {strides = array<i32>} : memref<128x64xf32, #tpu.memory_space<vmem>>, vector<1x16xf32>,
        %get3A_529 = vector.shape_cast %get3A_528 : vector<1x16xf32> to vector<16xf32>
        %add3A_530 = arith.addf %get3A_529, %get3A_164 : vector<16xf32>
        %add3A_531 = arith.constant 3 : i32
        %add3A_532 = arith.addi %mul3A_300, %add3A_531 : i32
        %swap3A_533 = arith.constant 0 : i32
        %swap3A_534 = arith.index_cast %add3A_532 : i32 to index
        %swap3A_535 = arith.index_cast %swap3A_533 : i32 to index
        %swap3A_536 = arith.constant 32 : index
        %swap3A_537 = tpu.vector_load %arg13[%swap3A_534, %swap3A_535, %swap3A_536] {strides = array<i32>} : memref<128x1x64xf32, #tpu.memory_space<vmem>>, vector<1x1x16xf32>,
        %swap3A_538 = vector.shape_cast %swap3A_537 : vector<1x1x16xf32> to vector<16xf32>
        %swap3A_539 = vector.shape_cast %add3A_530 : vector<16xf32> to vector<1x1x16xf32>
        tpu.vector_store %arg13[%swap3A_534, %swap3A_535, %swap3A_536], %swap3A_539 {strides = array<i32>} : memref<128x1x64xf32, #tpu.memory_space<vmem>>, vector<1x1x16xf32>,
        %add3A_540 = arith.constant 3 : i32
        %add3A_541 = arith.addi %mul3A_300, %add3A_540 : i32
        %get3A_542 = arith.index_cast %add3A_541 : i32 to index
        %get3A_543 = arith.constant 48 : index
        %get3A_544 = tpu.vector_load %arg9[%get3A_542, %get3A_543] {strides = array<i32>} : memref<128x64xf32, #tpu.memory_space<vmem>>, vector<1x16xf32>,
        %get3A_545 = vector.shape_cast %get3A_544 : vector<1x16xf32> to vector<16xf32>
        %add3A_546 = arith.addf %get3A_545, %get3A_168 : vector<16xf32>
        %add3A_547 = arith.constant 3 : i32
        %add3A_548 = arith.addi %mul3A_300, %add3A_547 : i32
        %swap3A_549 = arith.constant 0 : i32
        %swap3A_550 = arith.index_cast %add3A_548 : i32 to index
        %swap3A_551 = arith.index_cast %swap3A_549 : i32 to index
        %swap3A_552 = arith.constant 48 : index
        %swap3A_553 = tpu.vector_load %arg13[%swap3A_550, %swap3A_551, %swap3A_552] {strides = array<i32>} : memref<128x1x64xf32, #tpu.memory_space<vmem>>, vector<1x1x16xf32>,
        %swap3A_554 = vector.shape_cast %swap3A_553 : vector<1x1x16xf32> to vector<16xf32>
        %swap3A_555 = vector.shape_cast %add3A_546 : vector<16xf32> to vector<1x1x16xf32>
        tpu.vector_store %arg13[%swap3A_550, %swap3A_551, %swap3A_552], %swap3A_555 {strides = array<i32>} : memref<128x1x64xf32, #tpu.memory_space<vmem>>, vector<1x1x16xf32>,
        %scan3A_556 = arith.constant 0 : i32
        scf.yield %scan3A_556 : i32
      }
      %scan3A_175 = arith.constant 32 : i32
      %add3A_176 = arith.constant 4 : i32
      %add3A_177 = arith.addi %add3A_140, %add3A_176 : i32
      %min3A_178 = arith.constant 199 : i32
      %min3A_179 = arith.minsi %add3A_177, %min3A_178 : i32
      %dma_start3A_180 = arith.constant 0 : i32
      %dma_start3A_181 = tpu.memref_slice %arg6[%min3A_179, %dma_start3A_180] : memref<200x128xi32, #tpu.memory_space<vmem>> -> memref<1x128xi32, #tpu.memory_space<vmem>>
      %dma_start3A_182 = tpu.memref_squeeze %dma_start3A_181 : memref<1x128xi32, #tpu.memory_space<vmem>> -> memref<128xi32, #tpu.memory_space<vmem>>
      %dma_start3A_183 = arith.constant 0 : i32
      %dma_start3A_184 = arith.constant 0 : i32
      %dma_start3A_185 = tpu.memref_slice %arg2[%dma_start3A_183, %dma_start3A_184] : memref<100000x64xf32, #tpu.memory_space<hbm>> -> memref<100000x64xf32, #tpu.memory_space<hbm>>
      tpu.enqueue_indirect_dma source(%dma_start3A_185 : memref<100000x64xf32, #tpu.memory_space<hbm>>) target(%arg9 : memref<128x64xf32, #tpu.memory_space<vmem>>) offsets(%dma_start3A_182 : memref<128xi32, #tpu.memory_space<vmem>>) semaphore(%arg17 : memref<!tpu.dma_semaphore, #tpu.memory_space<semaphore_mem>>)
      %dma_start3A_186 = arith.constant 0 : i32
      %dma_start3A_187 = tpu.memref_slice %arg5[%mul3A_2, %add3A_140, %dma_start3A_186] : memref<4096x200x64xf32, #tpu.memory_space<hbm>> -> memref<128x1x64xf32, #tpu.memory_space<hbm>>
      %dma_start3A_188 = arith.constant 0 : i32
      %dma_start3A_189 = tpu.memref_slice %arg5[%mul3A_2, %add3A_140, %dma_start3A_188] : memref<4096x200x64xf32, #tpu.memory_space<hbm>> -> memref<128x1x64xf32, #tpu.memory_space<hbm>>
      tpu.enqueue_dma source(%arg13 : memref<128x1x64xf32, #tpu.memory_space<vmem>>) target(%dma_start3A_189 : memref<128x1x64xf32, #tpu.memory_space<hbm>>) target_semaphore(%arg21 : memref<!tpu.dma_semaphore, #tpu.memory_space<semaphore_mem>>)
      %mul3A_190 = arith.constant 4 : i32
      %mul3A_191 = arith.muli %mul3A_190, %scan3A_87 : i32
      %add3A_192 = arith.constant 2 : i32
      %add3A_193 = arith.addi %mul3A_191, %add3A_192 : i32
      %dma_wait3A_194 = arith.constant 0 : i32
      %dma_wait3A_195 = arith.constant 0 : i32
      %dma_wait3A_196 = tpu.memref_slice %arg6[%dma_wait3A_194, %dma_wait3A_195] : memref<200x128xi32, #tpu.memory_space<vmem>> -> memref<1x128xi32, #tpu.memory_space<vmem>>
      %dma_wait3A_197 = tpu.memref_squeeze %dma_wait3A_196 : memref<1x128xi32, #tpu.memory_space<vmem>> -> memref<128xi32, #tpu.memory_space<vmem>>
      %dma_wait3A_198 = arith.constant 0 : i32
      %dma_wait3A_199 = arith.constant 0 : i32
      %dma_wait3A_200 = tpu.memref_slice %arg2[%dma_wait3A_198, %dma_wait3A_199] : memref<100000x64xf32, #tpu.memory_space<hbm>> -> memref<100000x64xf32, #tpu.memory_space<hbm>>
      tpu.wait_indirect_dma semaphore(%arg18 : memref<!tpu.dma_semaphore, #tpu.memory_space<semaphore_mem>>) src(%dma_wait3A_200 : memref<100000x64xf32, #tpu.memory_space<hbm>>) dst(%arg10 : memref<128x64xf32, #tpu.memory_space<vmem>>)
      %gt3A_201 = arith.constant 0 : i32
      %gt3A_202 = arith.cmpi sgt, %scan3A_87, %gt3A_201 : i32
      %convert_element_type3A_203 = arith.extui %gt3A_202 : i1 to i32
      %cond3A_204 = arith.constant 0 : i32
      %cond3A_205 = arith.cmpi ne, %convert_element_type3A_203, %cond3A_204 : i32
      scf.if %cond3A_205 {
        %dma_wait3A_297 = arith.constant 0 : i32
        %dma_wait3A_298 = arith.constant 0 : i32
        %dma_wait3A_299 = tpu.memref_slice %arg5[%mul3A_2, %dma_wait3A_297, %dma_wait3A_298] : memref<4096x200x64xf32, #tpu.memory_space<hbm>> -> memref<128x1x64xf32, #tpu.memory_space<hbm>>
        %dma_wait3A_300 = arith.constant 0 : i32
        %dma_wait3A_301 = arith.constant 0 : i32
        %dma_wait3A_302 = tpu.memref_slice %arg5[%mul3A_2, %dma_wait3A_300, %dma_wait3A_301] : memref<4096x200x64xf32, #tpu.memory_space<hbm>> -> memref<128x1x64xf32, #tpu.memory_space<hbm>>
        tpu.wait_dma2 semaphore(%arg22 : memref<!tpu.dma_semaphore, #tpu.memory_space<semaphore_mem>>) src(%arg14 : memref<128x1x64xf32, #tpu.memory_space<vmem>>) dst(%dma_wait3A_302 : memref<128x1x64xf32, #tpu.memory_space<hbm>>)
      } else {
      }
      %get3A_206 = arith.index_cast %add3A_193 : i32 to index
      %get3A_207 = arith.constant 0 : index
      %get3A_208 = tpu.vector_load %arg7[%get3A_206, %get3A_207] {strides = array<i32>} : memref<200x64xf32, #tpu.memory_space<vmem>>, vector<1x16xf32>,
      %get3A_209 = vector.shape_cast %get3A_208 : vector<1x16xf32> to vector<16xf32>
      %get3A_210 = arith.index_cast %add3A_193 : i32 to index
      %get3A_211 = arith.constant 16 : index
      %get3A_212 = tpu.vector_load %arg7[%get3A_210, %get3A_211] {strides = array<i32>} : memref<200x64xf32, #tpu.memory_space<vmem>>, vector<1x16xf32>,
      %get3A_213 = vector.shape_cast %get3A_212 : vector<1x16xf32> to vector<16xf32>
      %get3A_214 = arith.index_cast %add3A_193 : i32 to index
      %get3A_215 = arith.constant 32 : index
      %get3A_216 = tpu.vector_load %arg7[%get3A_214, %get3A_215] {strides = array<i32>} : memref<200x64xf32, #tpu.memory_space<vmem>>, vector<1x16xf32>,
      %get3A_217 = vector.shape_cast %get3A_216 : vector<1x16xf32> to vector<16xf32>
      %get3A_218 = arith.index_cast %add3A_193 : i32 to index
      %get3A_219 = arith.constant 48 : index
      %get3A_220 = tpu.vector_load %arg7[%get3A_218, %get3A_219] {strides = array<i32>} : memref<200x64xf32, #tpu.memory_space<vmem>>, vector<1x16xf32>,
      %get3A_221 = vector.shape_cast %get3A_220 : vector<1x16xf32> to vector<16xf32>
      %scan3A_222 = arith.constant 0 : i32
      %scan3A_223 = arith.constant 0 : i32
      %scan3A_224 = arith.constant 32 : i32
      %scan3A_225 = arith.addi %scan3A_223, %scan3A_224 : i32
      %scan3A_226 = arith.constant 1 : i32
      %scan3A_227 = scf.for %scan3A_297 = %scan3A_223 to %scan3A_225 step %scan3A_226 iter_args(%scan3A_298 = %scan3A_222) -> (i32)  : i32 {
        %mul3A_299 = arith.constant 4 : i32
        %mul3A_300 = arith.muli %mul3A_299, %scan3A_297 : i32
        %add3A_301 = arith.constant 0 : i32
        %add3A_302 = arith.addi %mul3A_300, %add3A_301 : i32
        %get3A_303 = arith.index_cast %add3A_302 : i32 to index
        %get3A_304 = arith.constant 0 : index
        %get3A_305 = tpu.vector_load %arg10[%get3A_303, %get3A_304] {strides = array<i32>} : memref<128x64xf32, #tpu.memory_space<vmem>>, vector<1x16xf32>,
        %get3A_306 = vector.shape_cast %get3A_305 : vector<1x16xf32> to vector<16xf32>
        %add3A_307 = arith.addf %get3A_306, %get3A_209 : vector<16xf32>
        %add3A_308 = arith.constant 0 : i32
        %add3A_309 = arith.addi %mul3A_300, %add3A_308 : i32
        %swap3A = arith.constant 0 : i32
        %swap3A_310 = arith.index_cast %add3A_309 : i32 to index
        %swap3A_311 = arith.index_cast %swap3A : i32 to index
        %swap3A_312 = arith.constant 0 : index
        %swap3A_313 = tpu.vector_load %arg14[%swap3A_310, %swap3A_311, %swap3A_312] {strides = array<i32>} : memref<128x1x64xf32, #tpu.memory_space<vmem>>, vector<1x1x16xf32>,
        %swap3A_314 = vector.shape_cast %swap3A_313 : vector<1x1x16xf32> to vector<16xf32>
        %swap3A_315 = vector.shape_cast %add3A_307 : vector<16xf32> to vector<1x1x16xf32>
        tpu.vector_store %arg14[%swap3A_310, %swap3A_311, %swap3A_312], %swap3A_315 {strides = array<i32>} : memref<128x1x64xf32, #tpu.memory_space<vmem>>, vector<1x1x16xf32>,
        %add3A_316 = arith.constant 0 : i32
        %add3A_317 = arith.addi %mul3A_300, %add3A_316 : i32
        %get3A_318 = arith.index_cast %add3A_317 : i32 to index
        %get3A_319 = arith.constant 16 : index
        %get3A_320 = tpu.vector_load %arg10[%get3A_318, %get3A_319] {strides = array<i32>} : memref<128x64xf32, #tpu.memory_space<vmem>>, vector<1x16xf32>,
        %get3A_321 = vector.shape_cast %get3A_320 : vector<1x16xf32> to vector<16xf32>
        %add3A_322 = arith.addf %get3A_321, %get3A_213 : vector<16xf32>
        %add3A_323 = arith.constant 0 : i32
        %add3A_324 = arith.addi %mul3A_300, %add3A_323 : i32
        %swap3A_325 = arith.constant 0 : i32
        %swap3A_326 = arith.index_cast %add3A_324 : i32 to index
        %swap3A_327 = arith.index_cast %swap3A_325 : i32 to index
        %swap3A_328 = arith.constant 16 : index
        %swap3A_329 = tpu.vector_load %arg14[%swap3A_326, %swap3A_327, %swap3A_328] {strides = array<i32>} : memref<128x1x64xf32, #tpu.memory_space<vmem>>, vector<1x1x16xf32>,
        %swap3A_330 = vector.shape_cast %swap3A_329 : vector<1x1x16xf32> to vector<16xf32>
        %swap3A_331 = vector.shape_cast %add3A_322 : vector<16xf32> to vector<1x1x16xf32>
        tpu.vector_store %arg14[%swap3A_326, %swap3A_327, %swap3A_328], %swap3A_331 {strides = array<i32>} : memref<128x1x64xf32, #tpu.memory_space<vmem>>, vector<1x1x16xf32>,
        %add3A_332 = arith.constant 0 : i32
        %add3A_333 = arith.addi %mul3A_300, %add3A_332 : i32
        %get3A_334 = arith.index_cast %add3A_333 : i32 to index
        %get3A_335 = arith.constant 32 : index
        %get3A_336 = tpu.vector_load %arg10[%get3A_334, %get3A_335] {strides = array<i32>} : memref<128x64xf32, #tpu.memory_space<vmem>>, vector<1x16xf32>,
        %get3A_337 = vector.shape_cast %get3A_336 : vector<1x16xf32> to vector<16xf32>
        %add3A_338 = arith.addf %get3A_337, %get3A_217 : vector<16xf32>
        %add3A_339 = arith.constant 0 : i32
        %add3A_340 = arith.addi %mul3A_300, %add3A_339 : i32
        %swap3A_341 = arith.constant 0 : i32
        %swap3A_342 = arith.index_cast %add3A_340 : i32 to index
        %swap3A_343 = arith.index_cast %swap3A_341 : i32 to index
        %swap3A_344 = arith.constant 32 : index
        %swap3A_345 = tpu.vector_load %arg14[%swap3A_342, %swap3A_343, %swap3A_344] {strides = array<i32>} : memref<128x1x64xf32, #tpu.memory_space<vmem>>, vector<1x1x16xf32>,
        %swap3A_346 = vector.shape_cast %swap3A_345 : vector<1x1x16xf32> to vector<16xf32>
        %swap3A_347 = vector.shape_cast %add3A_338 : vector<16xf32> to vector<1x1x16xf32>
        tpu.vector_store %arg14[%swap3A_342, %swap3A_343, %swap3A_344], %swap3A_347 {strides = array<i32>} : memref<128x1x64xf32, #tpu.memory_space<vmem>>, vector<1x1x16xf32>,
        %add3A_348 = arith.constant 0 : i32
        %add3A_349 = arith.addi %mul3A_300, %add3A_348 : i32
        %get3A_350 = arith.index_cast %add3A_349 : i32 to index
        %get3A_351 = arith.constant 48 : index
        %get3A_352 = tpu.vector_load %arg10[%get3A_350, %get3A_351] {strides = array<i32>} : memref<128x64xf32, #tpu.memory_space<vmem>>, vector<1x16xf32>,
        %get3A_353 = vector.shape_cast %get3A_352 : vector<1x16xf32> to vector<16xf32>
        %add3A_354 = arith.addf %get3A_353, %get3A_221 : vector<16xf32>
        %add3A_355 = arith.constant 0 : i32
        %add3A_356 = arith.addi %mul3A_300, %add3A_355 : i32
        %swap3A_357 = arith.constant 0 : i32
        %swap3A_358 = arith.index_cast %add3A_356 : i32 to index
        %swap3A_359 = arith.index_cast %swap3A_357 : i32 to index
        %swap3A_360 = arith.constant 48 : index
        %swap3A_361 = tpu.vector_load %arg14[%swap3A_358, %swap3A_359, %swap3A_360] {strides = array<i32>} : memref<128x1x64xf32, #tpu.memory_space<vmem>>, vector<1x1x16xf32>,
        %swap3A_362 = vector.shape_cast %swap3A_361 : vector<1x1x16xf32> to vector<16xf32>
        %swap3A_363 = vector.shape_cast %add3A_354 : vector<16xf32> to vector<1x1x16xf32>
        tpu.vector_store %arg14[%swap3A_358, %swap3A_359, %swap3A_360], %swap3A_363 {strides = array<i32>} : memref<128x1x64xf32, #tpu.memory_space<vmem>>, vector<1x1x16xf32>,
        %add3A_364 = arith.constant 1 : i32
        %add3A_365 = arith.addi %mul3A_300, %add3A_364 : i32
        %get3A_366 = arith.index_cast %add3A_365 : i32 to index
        %get3A_367 = arith.constant 0 : index
        %get3A_368 = tpu.vector_load %arg10[%get3A_366, %get3A_367] {strides = array<i32>} : memref<128x64xf32, #tpu.memory_space<vmem>>, vector<1x16xf32>,
        %get3A_369 = vector.shape_cast %get3A_368 : vector<1x16xf32> to vector<16xf32>
        %add3A_370 = arith.addf %get3A_369, %get3A_209 : vector<16xf32>
        %add3A_371 = arith.constant 1 : i32
        %add3A_372 = arith.addi %mul3A_300, %add3A_371 : i32
        %swap3A_373 = arith.constant 0 : i32
        %swap3A_374 = arith.index_cast %add3A_372 : i32 to index
        %swap3A_375 = arith.index_cast %swap3A_373 : i32 to index
        %swap3A_376 = arith.constant 0 : index
        %swap3A_377 = tpu.vector_load %arg14[%swap3A_374, %swap3A_375, %swap3A_376] {strides = array<i32>} : memref<128x1x64xf32, #tpu.memory_space<vmem>>, vector<1x1x16xf32>,
        %swap3A_378 = vector.shape_cast %swap3A_377 : vector<1x1x16xf32> to vector<16xf32>
        %swap3A_379 = vector.shape_cast %add3A_370 : vector<16xf32> to vector<1x1x16xf32>
        tpu.vector_store %arg14[%swap3A_374, %swap3A_375, %swap3A_376], %swap3A_379 {strides = array<i32>} : memref<128x1x64xf32, #tpu.memory_space<vmem>>, vector<1x1x16xf32>,
        %add3A_380 = arith.constant 1 : i32
        %add3A_381 = arith.addi %mul3A_300, %add3A_380 : i32
        %get3A_382 = arith.index_cast %add3A_381 : i32 to index
        %get3A_383 = arith.constant 16 : index
        %get3A_384 = tpu.vector_load %arg10[%get3A_382, %get3A_383] {strides = array<i32>} : memref<128x64xf32, #tpu.memory_space<vmem>>, vector<1x16xf32>,
        %get3A_385 = vector.shape_cast %get3A_384 : vector<1x16xf32> to vector<16xf32>
        %add3A_386 = arith.addf %get3A_385, %get3A_213 : vector<16xf32>
        %add3A_387 = arith.constant 1 : i32
        %add3A_388 = arith.addi %mul3A_300, %add3A_387 : i32
        %swap3A_389 = arith.constant 0 : i32
        %swap3A_390 = arith.index_cast %add3A_388 : i32 to index
        %swap3A_391 = arith.index_cast %swap3A_389 : i32 to index
        %swap3A_392 = arith.constant 16 : index
        %swap3A_393 = tpu.vector_load %arg14[%swap3A_390, %swap3A_391, %swap3A_392] {strides = array<i32>} : memref<128x1x64xf32, #tpu.memory_space<vmem>>, vector<1x1x16xf32>,
        %swap3A_394 = vector.shape_cast %swap3A_393 : vector<1x1x16xf32> to vector<16xf32>
        %swap3A_395 = vector.shape_cast %add3A_386 : vector<16xf32> to vector<1x1x16xf32>
        tpu.vector_store %arg14[%swap3A_390, %swap3A_391, %swap3A_392], %swap3A_395 {strides = array<i32>} : memref<128x1x64xf32, #tpu.memory_space<vmem>>, vector<1x1x16xf32>,
        %add3A_396 = arith.constant 1 : i32
        %add3A_397 = arith.addi %mul3A_300, %add3A_396 : i32
        %get3A_398 = arith.index_cast %add3A_397 : i32 to index
        %get3A_399 = arith.constant 32 : index
        %get3A_400 = tpu.vector_load %arg10[%get3A_398, %get3A_399] {strides = array<i32>} : memref<128x64xf32, #tpu.memory_space<vmem>>, vector<1x16xf32>,
        %get3A_401 = vector.shape_cast %get3A_400 : vector<1x16xf32> to vector<16xf32>
        %add3A_402 = arith.addf %get3A_401, %get3A_217 : vector<16xf32>
        %add3A_403 = arith.constant 1 : i32
        %add3A_404 = arith.addi %mul3A_300, %add3A_403 : i32
        %swap3A_405 = arith.constant 0 : i32
        %swap3A_406 = arith.index_cast %add3A_404 : i32 to index
        %swap3A_407 = arith.index_cast %swap3A_405 : i32 to index
        %swap3A_408 = arith.constant 32 : index
        %swap3A_409 = tpu.vector_load %arg14[%swap3A_406, %swap3A_407, %swap3A_408] {strides = array<i32>} : memref<128x1x64xf32, #tpu.memory_space<vmem>>, vector<1x1x16xf32>,
        %swap3A_410 = vector.shape_cast %swap3A_409 : vector<1x1x16xf32> to vector<16xf32>
        %swap3A_411 = vector.shape_cast %add3A_402 : vector<16xf32> to vector<1x1x16xf32>
        tpu.vector_store %arg14[%swap3A_406, %swap3A_407, %swap3A_408], %swap3A_411 {strides = array<i32>} : memref<128x1x64xf32, #tpu.memory_space<vmem>>, vector<1x1x16xf32>,
        %add3A_412 = arith.constant 1 : i32
        %add3A_413 = arith.addi %mul3A_300, %add3A_412 : i32
        %get3A_414 = arith.index_cast %add3A_413 : i32 to index
        %get3A_415 = arith.constant 48 : index
        %get3A_416 = tpu.vector_load %arg10[%get3A_414, %get3A_415] {strides = array<i32>} : memref<128x64xf32, #tpu.memory_space<vmem>>, vector<1x16xf32>,
        %get3A_417 = vector.shape_cast %get3A_416 : vector<1x16xf32> to vector<16xf32>
        %add3A_418 = arith.addf %get3A_417, %get3A_221 : vector<16xf32>
        %add3A_419 = arith.constant 1 : i32
        %add3A_420 = arith.addi %mul3A_300, %add3A_419 : i32
        %swap3A_421 = arith.constant 0 : i32
        %swap3A_422 = arith.index_cast %add3A_420 : i32 to index
        %swap3A_423 = arith.index_cast %swap3A_421 : i32 to index
        %swap3A_424 = arith.constant 48 : index
        %swap3A_425 = tpu.vector_load %arg14[%swap3A_422, %swap3A_423, %swap3A_424] {strides = array<i32>} : memref<128x1x64xf32, #tpu.memory_space<vmem>>, vector<1x1x16xf32>,
        %swap3A_426 = vector.shape_cast %swap3A_425 : vector<1x1x16xf32> to vector<16xf32>
        %swap3A_427 = vector.shape_cast %add3A_418 : vector<16xf32> to vector<1x1x16xf32>
        tpu.vector_store %arg14[%swap3A_422, %swap3A_423, %swap3A_424], %swap3A_427 {strides = array<i32>} : memref<128x1x64xf32, #tpu.memory_space<vmem>>, vector<1x1x16xf32>,
        %add3A_428 = arith.constant 2 : i32
        %add3A_429 = arith.addi %mul3A_300, %add3A_428 : i32
        %get3A_430 = arith.index_cast %add3A_429 : i32 to index
        %get3A_431 = arith.constant 0 : index
        %get3A_432 = tpu.vector_load %arg10[%get3A_430, %get3A_431] {strides = array<i32>} : memref<128x64xf32, #tpu.memory_space<vmem>>, vector<1x16xf32>,
        %get3A_433 = vector.shape_cast %get3A_432 : vector<1x16xf32> to vector<16xf32>
        %add3A_434 = arith.addf %get3A_433, %get3A_209 : vector<16xf32>
        %add3A_435 = arith.constant 2 : i32
        %add3A_436 = arith.addi %mul3A_300, %add3A_435 : i32
        %swap3A_437 = arith.constant 0 : i32
        %swap3A_438 = arith.index_cast %add3A_436 : i32 to index
        %swap3A_439 = arith.index_cast %swap3A_437 : i32 to index
        %swap3A_440 = arith.constant 0 : index
        %swap3A_441 = tpu.vector_load %arg14[%swap3A_438, %swap3A_439, %swap3A_440] {strides = array<i32>} : memref<128x1x64xf32, #tpu.memory_space<vmem>>, vector<1x1x16xf32>,
        %swap3A_442 = vector.shape_cast %swap3A_441 : vector<1x1x16xf32> to vector<16xf32>
        %swap3A_443 = vector.shape_cast %add3A_434 : vector<16xf32> to vector<1x1x16xf32>
        tpu.vector_store %arg14[%swap3A_438, %swap3A_439, %swap3A_440], %swap3A_443 {strides = array<i32>} : memref<128x1x64xf32, #tpu.memory_space<vmem>>, vector<1x1x16xf32>,
        %add3A_444 = arith.constant 2 : i32
        %add3A_445 = arith.addi %mul3A_300, %add3A_444 : i32
        %get3A_446 = arith.index_cast %add3A_445 : i32 to index
        %get3A_447 = arith.constant 16 : index
        %get3A_448 = tpu.vector_load %arg10[%get3A_446, %get3A_447] {strides = array<i32>} : memref<128x64xf32, #tpu.memory_space<vmem>>, vector<1x16xf32>,
        %get3A_449 = vector.shape_cast %get3A_448 : vector<1x16xf32> to vector<16xf32>
        %add3A_450 = arith.addf %get3A_449, %get3A_213 : vector<16xf32>
        %add3A_451 = arith.constant 2 : i32
        %add3A_452 = arith.addi %mul3A_300, %add3A_451 : i32
        %swap3A_453 = arith.constant 0 : i32
        %swap3A_454 = arith.index_cast %add3A_452 : i32 to index
        %swap3A_455 = arith.index_cast %swap3A_453 : i32 to index
        %swap3A_456 = arith.constant 16 : index
        %swap3A_457 = tpu.vector_load %arg14[%swap3A_454, %swap3A_455, %swap3A_456] {strides = array<i32>} : memref<128x1x64xf32, #tpu.memory_space<vmem>>, vector<1x1x16xf32>,
        %swap3A_458 = vector.shape_cast %swap3A_457 : vector<1x1x16xf32> to vector<16xf32>
        %swap3A_459 = vector.shape_cast %add3A_450 : vector<16xf32> to vector<1x1x16xf32>
        tpu.vector_store %arg14[%swap3A_454, %swap3A_455, %swap3A_456], %swap3A_459 {strides = array<i32>} : memref<128x1x64xf32, #tpu.memory_space<vmem>>, vector<1x1x16xf32>,
        %add3A_460 = arith.constant 2 : i32
        %add3A_461 = arith.addi %mul3A_300, %add3A_460 : i32
        %get3A_462 = arith.index_cast %add3A_461 : i32 to index
        %get3A_463 = arith.constant 32 : index
        %get3A_464 = tpu.vector_load %arg10[%get3A_462, %get3A_463] {strides = array<i32>} : memref<128x64xf32, #tpu.memory_space<vmem>>, vector<1x16xf32>,
        %get3A_465 = vector.shape_cast %get3A_464 : vector<1x16xf32> to vector<16xf32>
        %add3A_466 = arith.addf %get3A_465, %get3A_217 : vector<16xf32>
        %add3A_467 = arith.constant 2 : i32
        %add3A_468 = arith.addi %mul3A_300, %add3A_467 : i32
        %swap3A_469 = arith.constant 0 : i32
        %swap3A_470 = arith.index_cast %add3A_468 : i32 to index
        %swap3A_471 = arith.index_cast %swap3A_469 : i32 to index
        %swap3A_472 = arith.constant 32 : index
        %swap3A_473 = tpu.vector_load %arg14[%swap3A_470, %swap3A_471, %swap3A_472] {strides = array<i32>} : memref<128x1x64xf32, #tpu.memory_space<vmem>>, vector<1x1x16xf32>,
        %swap3A_474 = vector.shape_cast %swap3A_473 : vector<1x1x16xf32> to vector<16xf32>
        %swap3A_475 = vector.shape_cast %add3A_466 : vector<16xf32> to vector<1x1x16xf32>
        tpu.vector_store %arg14[%swap3A_470, %swap3A_471, %swap3A_472], %swap3A_475 {strides = array<i32>} : memref<128x1x64xf32, #tpu.memory_space<vmem>>, vector<1x1x16xf32>,
        %add3A_476 = arith.constant 2 : i32
        %add3A_477 = arith.addi %mul3A_300, %add3A_476 : i32
        %get3A_478 = arith.index_cast %add3A_477 : i32 to index
        %get3A_479 = arith.constant 48 : index
        %get3A_480 = tpu.vector_load %arg10[%get3A_478, %get3A_479] {strides = array<i32>} : memref<128x64xf32, #tpu.memory_space<vmem>>, vector<1x16xf32>,
        %get3A_481 = vector.shape_cast %get3A_480 : vector<1x16xf32> to vector<16xf32>
        %add3A_482 = arith.addf %get3A_481, %get3A_221 : vector<16xf32>
        %add3A_483 = arith.constant 2 : i32
        %add3A_484 = arith.addi %mul3A_300, %add3A_483 : i32
        %swap3A_485 = arith.constant 0 : i32
        %swap3A_486 = arith.index_cast %add3A_484 : i32 to index
        %swap3A_487 = arith.index_cast %swap3A_485 : i32 to index
        %swap3A_488 = arith.constant 48 : index
        %swap3A_489 = tpu.vector_load %arg14[%swap3A_486, %swap3A_487, %swap3A_488] {strides = array<i32>} : memref<128x1x64xf32, #tpu.memory_space<vmem>>, vector<1x1x16xf32>,
        %swap3A_490 = vector.shape_cast %swap3A_489 : vector<1x1x16xf32> to vector<16xf32>
        %swap3A_491 = vector.shape_cast %add3A_482 : vector<16xf32> to vector<1x1x16xf32>
        tpu.vector_store %arg14[%swap3A_486, %swap3A_487, %swap3A_488], %swap3A_491 {strides = array<i32>} : memref<128x1x64xf32, #tpu.memory_space<vmem>>, vector<1x1x16xf32>,
        %add3A_492 = arith.constant 3 : i32
        %add3A_493 = arith.addi %mul3A_300, %add3A_492 : i32
        %get3A_494 = arith.index_cast %add3A_493 : i32 to index
        %get3A_495 = arith.constant 0 : index
        %get3A_496 = tpu.vector_load %arg10[%get3A_494, %get3A_495] {strides = array<i32>} : memref<128x64xf32, #tpu.memory_space<vmem>>, vector<1x16xf32>,
        %get3A_497 = vector.shape_cast %get3A_496 : vector<1x16xf32> to vector<16xf32>
        %add3A_498 = arith.addf %get3A_497, %get3A_209 : vector<16xf32>
        %add3A_499 = arith.constant 3 : i32
        %add3A_500 = arith.addi %mul3A_300, %add3A_499 : i32
        %swap3A_501 = arith.constant 0 : i32
        %swap3A_502 = arith.index_cast %add3A_500 : i32 to index
        %swap3A_503 = arith.index_cast %swap3A_501 : i32 to index
        %swap3A_504 = arith.constant 0 : index
        %swap3A_505 = tpu.vector_load %arg14[%swap3A_502, %swap3A_503, %swap3A_504] {strides = array<i32>} : memref<128x1x64xf32, #tpu.memory_space<vmem>>, vector<1x1x16xf32>,
        %swap3A_506 = vector.shape_cast %swap3A_505 : vector<1x1x16xf32> to vector<16xf32>
        %swap3A_507 = vector.shape_cast %add3A_498 : vector<16xf32> to vector<1x1x16xf32>
        tpu.vector_store %arg14[%swap3A_502, %swap3A_503, %swap3A_504], %swap3A_507 {strides = array<i32>} : memref<128x1x64xf32, #tpu.memory_space<vmem>>, vector<1x1x16xf32>,
        %add3A_508 = arith.constant 3 : i32
        %add3A_509 = arith.addi %mul3A_300, %add3A_508 : i32
        %get3A_510 = arith.index_cast %add3A_509 : i32 to index
        %get3A_511 = arith.constant 16 : index
        %get3A_512 = tpu.vector_load %arg10[%get3A_510, %get3A_511] {strides = array<i32>} : memref<128x64xf32, #tpu.memory_space<vmem>>, vector<1x16xf32>,
        %get3A_513 = vector.shape_cast %get3A_512 : vector<1x16xf32> to vector<16xf32>
        %add3A_514 = arith.addf %get3A_513, %get3A_213 : vector<16xf32>
        %add3A_515 = arith.constant 3 : i32
        %add3A_516 = arith.addi %mul3A_300, %add3A_515 : i32
        %swap3A_517 = arith.constant 0 : i32
        %swap3A_518 = arith.index_cast %add3A_516 : i32 to index
        %swap3A_519 = arith.index_cast %swap3A_517 : i32 to index
        %swap3A_520 = arith.constant 16 : index
        %swap3A_521 = tpu.vector_load %arg14[%swap3A_518, %swap3A_519, %swap3A_520] {strides = array<i32>} : memref<128x1x64xf32, #tpu.memory_space<vmem>>, vector<1x1x16xf32>,
        %swap3A_522 = vector.shape_cast %swap3A_521 : vector<1x1x16xf32> to vector<16xf32>
        %swap3A_523 = vector.shape_cast %add3A_514 : vector<16xf32> to vector<1x1x16xf32>
        tpu.vector_store %arg14[%swap3A_518, %swap3A_519, %swap3A_520], %swap3A_523 {strides = array<i32>} : memref<128x1x64xf32, #tpu.memory_space<vmem>>, vector<1x1x16xf32>,
        %add3A_524 = arith.constant 3 : i32
        %add3A_525 = arith.addi %mul3A_300, %add3A_524 : i32
        %get3A_526 = arith.index_cast %add3A_525 : i32 to index
        %get3A_527 = arith.constant 32 : index
        %get3A_528 = tpu.vector_load %arg10[%get3A_526, %get3A_527] {strides = array<i32>} : memref<128x64xf32, #tpu.memory_space<vmem>>, vector<1x16xf32>,
        %get3A_529 = vector.shape_cast %get3A_528 : vector<1x16xf32> to vector<16xf32>
        %add3A_530 = arith.addf %get3A_529, %get3A_217 : vector<16xf32>
        %add3A_531 = arith.constant 3 : i32
        %add3A_532 = arith.addi %mul3A_300, %add3A_531 : i32
        %swap3A_533 = arith.constant 0 : i32
        %swap3A_534 = arith.index_cast %add3A_532 : i32 to index
        %swap3A_535 = arith.index_cast %swap3A_533 : i32 to index
        %swap3A_536 = arith.constant 32 : index
        %swap3A_537 = tpu.vector_load %arg14[%swap3A_534, %swap3A_535, %swap3A_536] {strides = array<i32>} : memref<128x1x64xf32, #tpu.memory_space<vmem>>, vector<1x1x16xf32>,
        %swap3A_538 = vector.shape_cast %swap3A_537 : vector<1x1x16xf32> to vector<16xf32>
        %swap3A_539 = vector.shape_cast %add3A_530 : vector<16xf32> to vector<1x1x16xf32>
        tpu.vector_store %arg14[%swap3A_534, %swap3A_535, %swap3A_536], %swap3A_539 {strides = array<i32>} : memref<128x1x64xf32, #tpu.memory_space<vmem>>, vector<1x1x16xf32>,
        %add3A_540 = arith.constant 3 : i32
        %add3A_541 = arith.addi %mul3A_300, %add3A_540 : i32
        %get3A_542 = arith.index_cast %add3A_541 : i32 to index
        %get3A_543 = arith.constant 48 : index
        %get3A_544 = tpu.vector_load %arg10[%get3A_542, %get3A_543] {strides = array<i32>} : memref<128x64xf32, #tpu.memory_space<vmem>>, vector<1x16xf32>,
        %get3A_545 = vector.shape_cast %get3A_544 : vector<1x16xf32> to vector<16xf32>
        %add3A_546 = arith.addf %get3A_545, %get3A_221 : vector<16xf32>
        %add3A_547 = arith.constant 3 : i32
        %add3A_548 = arith.addi %mul3A_300, %add3A_547 : i32
        %swap3A_549 = arith.constant 0 : i32
        %swap3A_550 = arith.index_cast %add3A_548 : i32 to index
        %swap3A_551 = arith.index_cast %swap3A_549 : i32 to index
        %swap3A_552 = arith.constant 48 : index
        %swap3A_553 = tpu.vector_load %arg14[%swap3A_550, %swap3A_551, %swap3A_552] {strides = array<i32>} : memref<128x1x64xf32, #tpu.memory_space<vmem>>, vector<1x1x16xf32>,
        %swap3A_554 = vector.shape_cast %swap3A_553 : vector<1x1x16xf32> to vector<16xf32>
        %swap3A_555 = vector.shape_cast %add3A_546 : vector<16xf32> to vector<1x1x16xf32>
        tpu.vector_store %arg14[%swap3A_550, %swap3A_551, %swap3A_552], %swap3A_555 {strides = array<i32>} : memref<128x1x64xf32, #tpu.memory_space<vmem>>, vector<1x1x16xf32>,
        %scan3A_556 = arith.constant 0 : i32
        scf.yield %scan3A_556 : i32
      }
      %scan3A_228 = arith.constant 32 : i32
      %add3A_229 = arith.constant 4 : i32
      %add3A_230 = arith.addi %add3A_193, %add3A_229 : i32
      %min3A_231 = arith.constant 199 : i32
      %min3A_232 = arith.minsi %add3A_230, %min3A_231 : i32
      %dma_start3A_233 = arith.constant 0 : i32
      %dma_start3A_234 = tpu.memref_slice %arg6[%min3A_232, %dma_start3A_233] : memref<200x128xi32, #tpu.memory_space<vmem>> -> memref<1x128xi32, #tpu.memory_space<vmem>>
      %dma_start3A_235 = tpu.memref_squeeze %dma_start3A_234 : memref<1x128xi32, #tpu.memory_space<vmem>> -> memref<128xi32, #tpu.memory_space<vmem>>
      %dma_start3A_236 = arith.constant 0 : i32
      %dma_start3A_237 = arith.constant 0 : i32
      %dma_start3A_238 = tpu.memref_slice %arg2[%dma_start3A_236, %dma_start3A_237] : memref<100000x64xf32, #tpu.memory_space<hbm>> -> memref<100000x64xf32, #tpu.memory_space<hbm>>
      tpu.enqueue_indirect_dma source(%dma_start3A_238 : memref<100000x64xf32, #tpu.memory_space<hbm>>) target(%arg10 : memref<128x64xf32, #tpu.memory_space<vmem>>) offsets(%dma_start3A_235 : memref<128xi32, #tpu.memory_space<vmem>>) semaphore(%arg18 : memref<!tpu.dma_semaphore, #tpu.memory_space<semaphore_mem>>)
      %dma_start3A_239 = arith.constant 0 : i32
      %dma_start3A_240 = tpu.memref_slice %arg5[%mul3A_2, %add3A_193, %dma_start3A_239] : memref<4096x200x64xf32, #tpu.memory_space<hbm>> -> memref<128x1x64xf32, #tpu.memory_space<hbm>>
      %dma_start3A_241 = arith.constant 0 : i32
      %dma_start3A_242 = tpu.memref_slice %arg5[%mul3A_2, %add3A_193, %dma_start3A_241] : memref<4096x200x64xf32, #tpu.memory_space<hbm>> -> memref<128x1x64xf32, #tpu.memory_space<hbm>>
      tpu.enqueue_dma source(%arg14 : memref<128x1x64xf32, #tpu.memory_space<vmem>>) target(%dma_start3A_242 : memref<128x1x64xf32, #tpu.memory_space<hbm>>) target_semaphore(%arg22 : memref<!tpu.dma_semaphore, #tpu.memory_space<semaphore_mem>>)
      %mul3A_243 = arith.constant 4 : i32
      %mul3A_244 = arith.muli %mul3A_243, %scan3A_87 : i32
      %add3A_245 = arith.constant 3 : i32
      %add3A_246 = arith.addi %mul3A_244, %add3A_245 : i32
      %dma_wait3A_247 = arith.constant 0 : i32
      %dma_wait3A_248 = arith.constant 0 : i32
      %dma_wait3A_249 = tpu.memref_slice %arg6[%dma_wait3A_247, %dma_wait3A_248] : memref<200x128xi32, #tpu.memory_space<vmem>> -> memref<1x128xi32, #tpu.memory_space<vmem>>
      %dma_wait3A_250 = tpu.memref_squeeze %dma_wait3A_249 : memref<1x128xi32, #tpu.memory_space<vmem>> -> memref<128xi32, #tpu.memory_space<vmem>>
      %dma_wait3A_251 = arith.constant 0 : i32
      %dma_wait3A_252 = arith.constant 0 : i32
      %dma_wait3A_253 = tpu.memref_slice %arg2[%dma_wait3A_251, %dma_wait3A_252] : memref<100000x64xf32, #tpu.memory_space<hbm>> -> memref<100000x64xf32, #tpu.memory_space<hbm>>
      tpu.wait_indirect_dma semaphore(%arg19 : memref<!tpu.dma_semaphore, #tpu.memory_space<semaphore_mem>>) src(%dma_wait3A_253 : memref<100000x64xf32, #tpu.memory_space<hbm>>) dst(%arg11 : memref<128x64xf32, #tpu.memory_space<vmem>>)
      %gt3A_254 = arith.constant 0 : i32
      %gt3A_255 = arith.cmpi sgt, %scan3A_87, %gt3A_254 : i32
      %convert_element_type3A_256 = arith.extui %gt3A_255 : i1 to i32
      %cond3A_257 = arith.constant 0 : i32
      %cond3A_258 = arith.cmpi ne, %convert_element_type3A_256, %cond3A_257 : i32
      scf.if %cond3A_258 {
        %dma_wait3A_297 = arith.constant 0 : i32
        %dma_wait3A_298 = arith.constant 0 : i32
        %dma_wait3A_299 = tpu.memref_slice %arg5[%mul3A_2, %dma_wait3A_297, %dma_wait3A_298] : memref<4096x200x64xf32, #tpu.memory_space<hbm>> -> memref<128x1x64xf32, #tpu.memory_space<hbm>>
        %dma_wait3A_300 = arith.constant 0 : i32
        %dma_wait3A_301 = arith.constant 0 : i32
        %dma_wait3A_302 = tpu.memref_slice %arg5[%mul3A_2, %dma_wait3A_300, %dma_wait3A_301] : memref<4096x200x64xf32, #tpu.memory_space<hbm>> -> memref<128x1x64xf32, #tpu.memory_space<hbm>>
        tpu.wait_dma2 semaphore(%arg23 : memref<!tpu.dma_semaphore, #tpu.memory_space<semaphore_mem>>) src(%arg15 : memref<128x1x64xf32, #tpu.memory_space<vmem>>) dst(%dma_wait3A_302 : memref<128x1x64xf32, #tpu.memory_space<hbm>>)
      } else {
      }
      %get3A_259 = arith.index_cast %add3A_246 : i32 to index
      %get3A_260 = arith.constant 0 : index
      %get3A_261 = tpu.vector_load %arg7[%get3A_259, %get3A_260] {strides = array<i32>} : memref<200x64xf32, #tpu.memory_space<vmem>>, vector<1x16xf32>,
      %get3A_262 = vector.shape_cast %get3A_261 : vector<1x16xf32> to vector<16xf32>
      %get3A_263 = arith.index_cast %add3A_246 : i32 to index
      %get3A_264 = arith.constant 16 : index
      %get3A_265 = tpu.vector_load %arg7[%get3A_263, %get3A_264] {strides = array<i32>} : memref<200x64xf32, #tpu.memory_space<vmem>>, vector<1x16xf32>,
      %get3A_266 = vector.shape_cast %get3A_265 : vector<1x16xf32> to vector<16xf32>
      %get3A_267 = arith.index_cast %add3A_246 : i32 to index
      %get3A_268 = arith.constant 32 : index
      %get3A_269 = tpu.vector_load %arg7[%get3A_267, %get3A_268] {strides = array<i32>} : memref<200x64xf32, #tpu.memory_space<vmem>>, vector<1x16xf32>,
      %get3A_270 = vector.shape_cast %get3A_269 : vector<1x16xf32> to vector<16xf32>
      %get3A_271 = arith.index_cast %add3A_246 : i32 to index
      %get3A_272 = arith.constant 48 : index
      %get3A_273 = tpu.vector_load %arg7[%get3A_271, %get3A_272] {strides = array<i32>} : memref<200x64xf32, #tpu.memory_space<vmem>>, vector<1x16xf32>,
      %get3A_274 = vector.shape_cast %get3A_273 : vector<1x16xf32> to vector<16xf32>
      %scan3A_275 = arith.constant 0 : i32
      %scan3A_276 = arith.constant 0 : i32
      %scan3A_277 = arith.constant 32 : i32
      %scan3A_278 = arith.addi %scan3A_276, %scan3A_277 : i32
      %scan3A_279 = arith.constant 1 : i32
      %scan3A_280 = scf.for %scan3A_297 = %scan3A_276 to %scan3A_278 step %scan3A_279 iter_args(%scan3A_298 = %scan3A_275) -> (i32)  : i32 {
        %mul3A_299 = arith.constant 4 : i32
        %mul3A_300 = arith.muli %mul3A_299, %scan3A_297 : i32
        %add3A_301 = arith.constant 0 : i32
        %add3A_302 = arith.addi %mul3A_300, %add3A_301 : i32
        %get3A_303 = arith.index_cast %add3A_302 : i32 to index
        %get3A_304 = arith.constant 0 : index
        %get3A_305 = tpu.vector_load %arg11[%get3A_303, %get3A_304] {strides = array<i32>} : memref<128x64xf32, #tpu.memory_space<vmem>>, vector<1x16xf32>,
        %get3A_306 = vector.shape_cast %get3A_305 : vector<1x16xf32> to vector<16xf32>
        %add3A_307 = arith.addf %get3A_306, %get3A_262 : vector<16xf32>
        %add3A_308 = arith.constant 0 : i32
        %add3A_309 = arith.addi %mul3A_300, %add3A_308 : i32
        %swap3A = arith.constant 0 : i32
        %swap3A_310 = arith.index_cast %add3A_309 : i32 to index
        %swap3A_311 = arith.index_cast %swap3A : i32 to index
        %swap3A_312 = arith.constant 0 : index
        %swap3A_313 = tpu.vector_load %arg15[%swap3A_310, %swap3A_311, %swap3A_312] {strides = array<i32>} : memref<128x1x64xf32, #tpu.memory_space<vmem>>, vector<1x1x16xf32>,
        %swap3A_314 = vector.shape_cast %swap3A_313 : vector<1x1x16xf32> to vector<16xf32>
        %swap3A_315 = vector.shape_cast %add3A_307 : vector<16xf32> to vector<1x1x16xf32>
        tpu.vector_store %arg15[%swap3A_310, %swap3A_311, %swap3A_312], %swap3A_315 {strides = array<i32>} : memref<128x1x64xf32, #tpu.memory_space<vmem>>, vector<1x1x16xf32>,
        %add3A_316 = arith.constant 0 : i32
        %add3A_317 = arith.addi %mul3A_300, %add3A_316 : i32
        %get3A_318 = arith.index_cast %add3A_317 : i32 to index
        %get3A_319 = arith.constant 16 : index
        %get3A_320 = tpu.vector_load %arg11[%get3A_318, %get3A_319] {strides = array<i32>} : memref<128x64xf32, #tpu.memory_space<vmem>>, vector<1x16xf32>,
        %get3A_321 = vector.shape_cast %get3A_320 : vector<1x16xf32> to vector<16xf32>
        %add3A_322 = arith.addf %get3A_321, %get3A_266 : vector<16xf32>
        %add3A_323 = arith.constant 0 : i32
        %add3A_324 = arith.addi %mul3A_300, %add3A_323 : i32
        %swap3A_325 = arith.constant 0 : i32
        %swap3A_326 = arith.index_cast %add3A_324 : i32 to index
        %swap3A_327 = arith.index_cast %swap3A_325 : i32 to index
        %swap3A_328 = arith.constant 16 : index
        %swap3A_329 = tpu.vector_load %arg15[%swap3A_326, %swap3A_327, %swap3A_328] {strides = array<i32>} : memref<128x1x64xf32, #tpu.memory_space<vmem>>, vector<1x1x16xf32>,
        %swap3A_330 = vector.shape_cast %swap3A_329 : vector<1x1x16xf32> to vector<16xf32>
        %swap3A_331 = vector.shape_cast %add3A_322 : vector<16xf32> to vector<1x1x16xf32>
        tpu.vector_store %arg15[%swap3A_326, %swap3A_327, %swap3A_328], %swap3A_331 {strides = array<i32>} : memref<128x1x64xf32, #tpu.memory_space<vmem>>, vector<1x1x16xf32>,
        %add3A_332 = arith.constant 0 : i32
        %add3A_333 = arith.addi %mul3A_300, %add3A_332 : i32
        %get3A_334 = arith.index_cast %add3A_333 : i32 to index
        %get3A_335 = arith.constant 32 : index
        %get3A_336 = tpu.vector_load %arg11[%get3A_334, %get3A_335] {strides = array<i32>} : memref<128x64xf32, #tpu.memory_space<vmem>>, vector<1x16xf32>,
        %get3A_337 = vector.shape_cast %get3A_336 : vector<1x16xf32> to vector<16xf32>
        %add3A_338 = arith.addf %get3A_337, %get3A_270 : vector<16xf32>
        %add3A_339 = arith.constant 0 : i32
        %add3A_340 = arith.addi %mul3A_300, %add3A_339 : i32
        %swap3A_341 = arith.constant 0 : i32
        %swap3A_342 = arith.index_cast %add3A_340 : i32 to index
        %swap3A_343 = arith.index_cast %swap3A_341 : i32 to index
        %swap3A_344 = arith.constant 32 : index
        %swap3A_345 = tpu.vector_load %arg15[%swap3A_342, %swap3A_343, %swap3A_344] {strides = array<i32>} : memref<128x1x64xf32, #tpu.memory_space<vmem>>, vector<1x1x16xf32>,
        %swap3A_346 = vector.shape_cast %swap3A_345 : vector<1x1x16xf32> to vector<16xf32>
        %swap3A_347 = vector.shape_cast %add3A_338 : vector<16xf32> to vector<1x1x16xf32>
        tpu.vector_store %arg15[%swap3A_342, %swap3A_343, %swap3A_344], %swap3A_347 {strides = array<i32>} : memref<128x1x64xf32, #tpu.memory_space<vmem>>, vector<1x1x16xf32>,
        %add3A_348 = arith.constant 0 : i32
        %add3A_349 = arith.addi %mul3A_300, %add3A_348 : i32
        %get3A_350 = arith.index_cast %add3A_349 : i32 to index
        %get3A_351 = arith.constant 48 : index
        %get3A_352 = tpu.vector_load %arg11[%get3A_350, %get3A_351] {strides = array<i32>} : memref<128x64xf32, #tpu.memory_space<vmem>>, vector<1x16xf32>,
        %get3A_353 = vector.shape_cast %get3A_352 : vector<1x16xf32> to vector<16xf32>
        %add3A_354 = arith.addf %get3A_353, %get3A_274 : vector<16xf32>
        %add3A_355 = arith.constant 0 : i32
        %add3A_356 = arith.addi %mul3A_300, %add3A_355 : i32
        %swap3A_357 = arith.constant 0 : i32
        %swap3A_358 = arith.index_cast %add3A_356 : i32 to index
        %swap3A_359 = arith.index_cast %swap3A_357 : i32 to index
        %swap3A_360 = arith.constant 48 : index
        %swap3A_361 = tpu.vector_load %arg15[%swap3A_358, %swap3A_359, %swap3A_360] {strides = array<i32>} : memref<128x1x64xf32, #tpu.memory_space<vmem>>, vector<1x1x16xf32>,
        %swap3A_362 = vector.shape_cast %swap3A_361 : vector<1x1x16xf32> to vector<16xf32>
        %swap3A_363 = vector.shape_cast %add3A_354 : vector<16xf32> to vector<1x1x16xf32>
        tpu.vector_store %arg15[%swap3A_358, %swap3A_359, %swap3A_360], %swap3A_363 {strides = array<i32>} : memref<128x1x64xf32, #tpu.memory_space<vmem>>, vector<1x1x16xf32>,
        %add3A_364 = arith.constant 1 : i32
        %add3A_365 = arith.addi %mul3A_300, %add3A_364 : i32
        %get3A_366 = arith.index_cast %add3A_365 : i32 to index
        %get3A_367 = arith.constant 0 : index
        %get3A_368 = tpu.vector_load %arg11[%get3A_366, %get3A_367] {strides = array<i32>} : memref<128x64xf32, #tpu.memory_space<vmem>>, vector<1x16xf32>,
        %get3A_369 = vector.shape_cast %get3A_368 : vector<1x16xf32> to vector<16xf32>
        %add3A_370 = arith.addf %get3A_369, %get3A_262 : vector<16xf32>
        %add3A_371 = arith.constant 1 : i32
        %add3A_372 = arith.addi %mul3A_300, %add3A_371 : i32
        %swap3A_373 = arith.constant 0 : i32
        %swap3A_374 = arith.index_cast %add3A_372 : i32 to index
        %swap3A_375 = arith.index_cast %swap3A_373 : i32 to index
        %swap3A_376 = arith.constant 0 : index
        %swap3A_377 = tpu.vector_load %arg15[%swap3A_374, %swap3A_375, %swap3A_376] {strides = array<i32>} : memref<128x1x64xf32, #tpu.memory_space<vmem>>, vector<1x1x16xf32>,
        %swap3A_378 = vector.shape_cast %swap3A_377 : vector<1x1x16xf32> to vector<16xf32>
        %swap3A_379 = vector.shape_cast %add3A_370 : vector<16xf32> to vector<1x1x16xf32>
        tpu.vector_store %arg15[%swap3A_374, %swap3A_375, %swap3A_376], %swap3A_379 {strides = array<i32>} : memref<128x1x64xf32, #tpu.memory_space<vmem>>, vector<1x1x16xf32>,
        %add3A_380 = arith.constant 1 : i32
        %add3A_381 = arith.addi %mul3A_300, %add3A_380 : i32
        %get3A_382 = arith.index_cast %add3A_381 : i32 to index
        %get3A_383 = arith.constant 16 : index
        %get3A_384 = tpu.vector_load %arg11[%get3A_382, %get3A_383] {strides = array<i32>} : memref<128x64xf32, #tpu.memory_space<vmem>>, vector<1x16xf32>,
        %get3A_385 = vector.shape_cast %get3A_384 : vector<1x16xf32> to vector<16xf32>
        %add3A_386 = arith.addf %get3A_385, %get3A_266 : vector<16xf32>
        %add3A_387 = arith.constant 1 : i32
        %add3A_388 = arith.addi %mul3A_300, %add3A_387 : i32
        %swap3A_389 = arith.constant 0 : i32
        %swap3A_390 = arith.index_cast %add3A_388 : i32 to index
        %swap3A_391 = arith.index_cast %swap3A_389 : i32 to index
        %swap3A_392 = arith.constant 16 : index
        %swap3A_393 = tpu.vector_load %arg15[%swap3A_390, %swap3A_391, %swap3A_392] {strides = array<i32>} : memref<128x1x64xf32, #tpu.memory_space<vmem>>, vector<1x1x16xf32>,
        %swap3A_394 = vector.shape_cast %swap3A_393 : vector<1x1x16xf32> to vector<16xf32>
        %swap3A_395 = vector.shape_cast %add3A_386 : vector<16xf32> to vector<1x1x16xf32>
        tpu.vector_store %arg15[%swap3A_390, %swap3A_391, %swap3A_392], %swap3A_395 {strides = array<i32>} : memref<128x1x64xf32, #tpu.memory_space<vmem>>, vector<1x1x16xf32>,
        %add3A_396 = arith.constant 1 : i32
        %add3A_397 = arith.addi %mul3A_300, %add3A_396 : i32
        %get3A_398 = arith.index_cast %add3A_397 : i32 to index
        %get3A_399 = arith.constant 32 : index
        %get3A_400 = tpu.vector_load %arg11[%get3A_398, %get3A_399] {strides = array<i32>} : memref<128x64xf32, #tpu.memory_space<vmem>>, vector<1x16xf32>,
        %get3A_401 = vector.shape_cast %get3A_400 : vector<1x16xf32> to vector<16xf32>
        %add3A_402 = arith.addf %get3A_401, %get3A_270 : vector<16xf32>
        %add3A_403 = arith.constant 1 : i32
        %add3A_404 = arith.addi %mul3A_300, %add3A_403 : i32
        %swap3A_405 = arith.constant 0 : i32
        %swap3A_406 = arith.index_cast %add3A_404 : i32 to index
        %swap3A_407 = arith.index_cast %swap3A_405 : i32 to index
        %swap3A_408 = arith.constant 32 : index
        %swap3A_409 = tpu.vector_load %arg15[%swap3A_406, %swap3A_407, %swap3A_408] {strides = array<i32>} : memref<128x1x64xf32, #tpu.memory_space<vmem>>, vector<1x1x16xf32>,
        %swap3A_410 = vector.shape_cast %swap3A_409 : vector<1x1x16xf32> to vector<16xf32>
        %swap3A_411 = vector.shape_cast %add3A_402 : vector<16xf32> to vector<1x1x16xf32>
        tpu.vector_store %arg15[%swap3A_406, %swap3A_407, %swap3A_408], %swap3A_411 {strides = array<i32>} : memref<128x1x64xf32, #tpu.memory_space<vmem>>, vector<1x1x16xf32>,
        %add3A_412 = arith.constant 1 : i32
        %add3A_413 = arith.addi %mul3A_300, %add3A_412 : i32
        %get3A_414 = arith.index_cast %add3A_413 : i32 to index
        %get3A_415 = arith.constant 48 : index
        %get3A_416 = tpu.vector_load %arg11[%get3A_414, %get3A_415] {strides = array<i32>} : memref<128x64xf32, #tpu.memory_space<vmem>>, vector<1x16xf32>,
        %get3A_417 = vector.shape_cast %get3A_416 : vector<1x16xf32> to vector<16xf32>
        %add3A_418 = arith.addf %get3A_417, %get3A_274 : vector<16xf32>
        %add3A_419 = arith.constant 1 : i32
        %add3A_420 = arith.addi %mul3A_300, %add3A_419 : i32
        %swap3A_421 = arith.constant 0 : i32
        %swap3A_422 = arith.index_cast %add3A_420 : i32 to index
        %swap3A_423 = arith.index_cast %swap3A_421 : i32 to index
        %swap3A_424 = arith.constant 48 : index
        %swap3A_425 = tpu.vector_load %arg15[%swap3A_422, %swap3A_423, %swap3A_424] {strides = array<i32>} : memref<128x1x64xf32, #tpu.memory_space<vmem>>, vector<1x1x16xf32>,
        %swap3A_426 = vector.shape_cast %swap3A_425 : vector<1x1x16xf32> to vector<16xf32>
        %swap3A_427 = vector.shape_cast %add3A_418 : vector<16xf32> to vector<1x1x16xf32>
        tpu.vector_store %arg15[%swap3A_422, %swap3A_423, %swap3A_424], %swap3A_427 {strides = array<i32>} : memref<128x1x64xf32, #tpu.memory_space<vmem>>, vector<1x1x16xf32>,
        %add3A_428 = arith.constant 2 : i32
        %add3A_429 = arith.addi %mul3A_300, %add3A_428 : i32
        %get3A_430 = arith.index_cast %add3A_429 : i32 to index
        %get3A_431 = arith.constant 0 : index
        %get3A_432 = tpu.vector_load %arg11[%get3A_430, %get3A_431] {strides = array<i32>} : memref<128x64xf32, #tpu.memory_space<vmem>>, vector<1x16xf32>,
        %get3A_433 = vector.shape_cast %get3A_432 : vector<1x16xf32> to vector<16xf32>
        %add3A_434 = arith.addf %get3A_433, %get3A_262 : vector<16xf32>
        %add3A_435 = arith.constant 2 : i32
        %add3A_436 = arith.addi %mul3A_300, %add3A_435 : i32
        %swap3A_437 = arith.constant 0 : i32
        %swap3A_438 = arith.index_cast %add3A_436 : i32 to index
        %swap3A_439 = arith.index_cast %swap3A_437 : i32 to index
        %swap3A_440 = arith.constant 0 : index
        %swap3A_441 = tpu.vector_load %arg15[%swap3A_438, %swap3A_439, %swap3A_440] {strides = array<i32>} : memref<128x1x64xf32, #tpu.memory_space<vmem>>, vector<1x1x16xf32>,
        %swap3A_442 = vector.shape_cast %swap3A_441 : vector<1x1x16xf32> to vector<16xf32>
        %swap3A_443 = vector.shape_cast %add3A_434 : vector<16xf32> to vector<1x1x16xf32>
        tpu.vector_store %arg15[%swap3A_438, %swap3A_439, %swap3A_440], %swap3A_443 {strides = array<i32>} : memref<128x1x64xf32, #tpu.memory_space<vmem>>, vector<1x1x16xf32>,
        %add3A_444 = arith.constant 2 : i32
        %add3A_445 = arith.addi %mul3A_300, %add3A_444 : i32
        %get3A_446 = arith.index_cast %add3A_445 : i32 to index
        %get3A_447 = arith.constant 16 : index
        %get3A_448 = tpu.vector_load %arg11[%get3A_446, %get3A_447] {strides = array<i32>} : memref<128x64xf32, #tpu.memory_space<vmem>>, vector<1x16xf32>,
        %get3A_449 = vector.shape_cast %get3A_448 : vector<1x16xf32> to vector<16xf32>
        %add3A_450 = arith.addf %get3A_449, %get3A_266 : vector<16xf32>
        %add3A_451 = arith.constant 2 : i32
        %add3A_452 = arith.addi %mul3A_300, %add3A_451 : i32
        %swap3A_453 = arith.constant 0 : i32
        %swap3A_454 = arith.index_cast %add3A_452 : i32 to index
        %swap3A_455 = arith.index_cast %swap3A_453 : i32 to index
        %swap3A_456 = arith.constant 16 : index
        %swap3A_457 = tpu.vector_load %arg15[%swap3A_454, %swap3A_455, %swap3A_456] {strides = array<i32>} : memref<128x1x64xf32, #tpu.memory_space<vmem>>, vector<1x1x16xf32>,
        %swap3A_458 = vector.shape_cast %swap3A_457 : vector<1x1x16xf32> to vector<16xf32>
        %swap3A_459 = vector.shape_cast %add3A_450 : vector<16xf32> to vector<1x1x16xf32>
        tpu.vector_store %arg15[%swap3A_454, %swap3A_455, %swap3A_456], %swap3A_459 {strides = array<i32>} : memref<128x1x64xf32, #tpu.memory_space<vmem>>, vector<1x1x16xf32>,
        %add3A_460 = arith.constant 2 : i32
        %add3A_461 = arith.addi %mul3A_300, %add3A_460 : i32
        %get3A_462 = arith.index_cast %add3A_461 : i32 to index
        %get3A_463 = arith.constant 32 : index
        %get3A_464 = tpu.vector_load %arg11[%get3A_462, %get3A_463] {strides = array<i32>} : memref<128x64xf32, #tpu.memory_space<vmem>>, vector<1x16xf32>,
        %get3A_465 = vector.shape_cast %get3A_464 : vector<1x16xf32> to vector<16xf32>
        %add3A_466 = arith.addf %get3A_465, %get3A_270 : vector<16xf32>
        %add3A_467 = arith.constant 2 : i32
        %add3A_468 = arith.addi %mul3A_300, %add3A_467 : i32
        %swap3A_469 = arith.constant 0 : i32
        %swap3A_470 = arith.index_cast %add3A_468 : i32 to index
        %swap3A_471 = arith.index_cast %swap3A_469 : i32 to index
        %swap3A_472 = arith.constant 32 : index
        %swap3A_473 = tpu.vector_load %arg15[%swap3A_470, %swap3A_471, %swap3A_472] {strides = array<i32>} : memref<128x1x64xf32, #tpu.memory_space<vmem>>, vector<1x1x16xf32>,
        %swap3A_474 = vector.shape_cast %swap3A_473 : vector<1x1x16xf32> to vector<16xf32>
        %swap3A_475 = vector.shape_cast %add3A_466 : vector<16xf32> to vector<1x1x16xf32>
        tpu.vector_store %arg15[%swap3A_470, %swap3A_471, %swap3A_472], %swap3A_475 {strides = array<i32>} : memref<128x1x64xf32, #tpu.memory_space<vmem>>, vector<1x1x16xf32>,
        %add3A_476 = arith.constant 2 : i32
        %add3A_477 = arith.addi %mul3A_300, %add3A_476 : i32
        %get3A_478 = arith.index_cast %add3A_477 : i32 to index
        %get3A_479 = arith.constant 48 : index
        %get3A_480 = tpu.vector_load %arg11[%get3A_478, %get3A_479] {strides = array<i32>} : memref<128x64xf32, #tpu.memory_space<vmem>>, vector<1x16xf32>,
        %get3A_481 = vector.shape_cast %get3A_480 : vector<1x16xf32> to vector<16xf32>
        %add3A_482 = arith.addf %get3A_481, %get3A_274 : vector<16xf32>
        %add3A_483 = arith.constant 2 : i32
        %add3A_484 = arith.addi %mul3A_300, %add3A_483 : i32
        %swap3A_485 = arith.constant 0 : i32
        %swap3A_486 = arith.index_cast %add3A_484 : i32 to index
        %swap3A_487 = arith.index_cast %swap3A_485 : i32 to index
        %swap3A_488 = arith.constant 48 : index
        %swap3A_489 = tpu.vector_load %arg15[%swap3A_486, %swap3A_487, %swap3A_488] {strides = array<i32>} : memref<128x1x64xf32, #tpu.memory_space<vmem>>, vector<1x1x16xf32>,
        %swap3A_490 = vector.shape_cast %swap3A_489 : vector<1x1x16xf32> to vector<16xf32>
        %swap3A_491 = vector.shape_cast %add3A_482 : vector<16xf32> to vector<1x1x16xf32>
        tpu.vector_store %arg15[%swap3A_486, %swap3A_487, %swap3A_488], %swap3A_491 {strides = array<i32>} : memref<128x1x64xf32, #tpu.memory_space<vmem>>, vector<1x1x16xf32>,
        %add3A_492 = arith.constant 3 : i32
        %add3A_493 = arith.addi %mul3A_300, %add3A_492 : i32
        %get3A_494 = arith.index_cast %add3A_493 : i32 to index
        %get3A_495 = arith.constant 0 : index
        %get3A_496 = tpu.vector_load %arg11[%get3A_494, %get3A_495] {strides = array<i32>} : memref<128x64xf32, #tpu.memory_space<vmem>>, vector<1x16xf32>,
        %get3A_497 = vector.shape_cast %get3A_496 : vector<1x16xf32> to vector<16xf32>
        %add3A_498 = arith.addf %get3A_497, %get3A_262 : vector<16xf32>
        %add3A_499 = arith.constant 3 : i32
        %add3A_500 = arith.addi %mul3A_300, %add3A_499 : i32
        %swap3A_501 = arith.constant 0 : i32
        %swap3A_502 = arith.index_cast %add3A_500 : i32 to index
        %swap3A_503 = arith.index_cast %swap3A_501 : i32 to index
        %swap3A_504 = arith.constant 0 : index
        %swap3A_505 = tpu.vector_load %arg15[%swap3A_502, %swap3A_503, %swap3A_504] {strides = array<i32>} : memref<128x1x64xf32, #tpu.memory_space<vmem>>, vector<1x1x16xf32>,
        %swap3A_506 = vector.shape_cast %swap3A_505 : vector<1x1x16xf32> to vector<16xf32>
        %swap3A_507 = vector.shape_cast %add3A_498 : vector<16xf32> to vector<1x1x16xf32>
        tpu.vector_store %arg15[%swap3A_502, %swap3A_503, %swap3A_504], %swap3A_507 {strides = array<i32>} : memref<128x1x64xf32, #tpu.memory_space<vmem>>, vector<1x1x16xf32>,
        %add3A_508 = arith.constant 3 : i32
        %add3A_509 = arith.addi %mul3A_300, %add3A_508 : i32
        %get3A_510 = arith.index_cast %add3A_509 : i32 to index
        %get3A_511 = arith.constant 16 : index
        %get3A_512 = tpu.vector_load %arg11[%get3A_510, %get3A_511] {strides = array<i32>} : memref<128x64xf32, #tpu.memory_space<vmem>>, vector<1x16xf32>,
        %get3A_513 = vector.shape_cast %get3A_512 : vector<1x16xf32> to vector<16xf32>
        %add3A_514 = arith.addf %get3A_513, %get3A_266 : vector<16xf32>
        %add3A_515 = arith.constant 3 : i32
        %add3A_516 = arith.addi %mul3A_300, %add3A_515 : i32
        %swap3A_517 = arith.constant 0 : i32
        %swap3A_518 = arith.index_cast %add3A_516 : i32 to index
        %swap3A_519 = arith.index_cast %swap3A_517 : i32 to index
        %swap3A_520 = arith.constant 16 : index
        %swap3A_521 = tpu.vector_load %arg15[%swap3A_518, %swap3A_519, %swap3A_520] {strides = array<i32>} : memref<128x1x64xf32, #tpu.memory_space<vmem>>, vector<1x1x16xf32>,
        %swap3A_522 = vector.shape_cast %swap3A_521 : vector<1x1x16xf32> to vector<16xf32>
        %swap3A_523 = vector.shape_cast %add3A_514 : vector<16xf32> to vector<1x1x16xf32>
        tpu.vector_store %arg15[%swap3A_518, %swap3A_519, %swap3A_520], %swap3A_523 {strides = array<i32>} : memref<128x1x64xf32, #tpu.memory_space<vmem>>, vector<1x1x16xf32>,
        %add3A_524 = arith.constant 3 : i32
        %add3A_525 = arith.addi %mul3A_300, %add3A_524 : i32
        %get3A_526 = arith.index_cast %add3A_525 : i32 to index
        %get3A_527 = arith.constant 32 : index
        %get3A_528 = tpu.vector_load %arg11[%get3A_526, %get3A_527] {strides = array<i32>} : memref<128x64xf32, #tpu.memory_space<vmem>>, vector<1x16xf32>,
        %get3A_529 = vector.shape_cast %get3A_528 : vector<1x16xf32> to vector<16xf32>
        %add3A_530 = arith.addf %get3A_529, %get3A_270 : vector<16xf32>
        %add3A_531 = arith.constant 3 : i32
        %add3A_532 = arith.addi %mul3A_300, %add3A_531 : i32
        %swap3A_533 = arith.constant 0 : i32
        %swap3A_534 = arith.index_cast %add3A_532 : i32 to index
        %swap3A_535 = arith.index_cast %swap3A_533 : i32 to index
        %swap3A_536 = arith.constant 32 : index
        %swap3A_537 = tpu.vector_load %arg15[%swap3A_534, %swap3A_535, %swap3A_536] {strides = array<i32>} : memref<128x1x64xf32, #tpu.memory_space<vmem>>, vector<1x1x16xf32>,
        %swap3A_538 = vector.shape_cast %swap3A_537 : vector<1x1x16xf32> to vector<16xf32>
        %swap3A_539 = vector.shape_cast %add3A_530 : vector<16xf32> to vector<1x1x16xf32>
        tpu.vector_store %arg15[%swap3A_534, %swap3A_535, %swap3A_536], %swap3A_539 {strides = array<i32>} : memref<128x1x64xf32, #tpu.memory_space<vmem>>, vector<1x1x16xf32>,
        %add3A_540 = arith.constant 3 : i32
        %add3A_541 = arith.addi %mul3A_300, %add3A_540 : i32
        %get3A_542 = arith.index_cast %add3A_541 : i32 to index
        %get3A_543 = arith.constant 48 : index
        %get3A_544 = tpu.vector_load %arg11[%get3A_542, %get3A_543] {strides = array<i32>} : memref<128x64xf32, #tpu.memory_space<vmem>>, vector<1x16xf32>,
        %get3A_545 = vector.shape_cast %get3A_544 : vector<1x16xf32> to vector<16xf32>
        %add3A_546 = arith.addf %get3A_545, %get3A_274 : vector<16xf32>
        %add3A_547 = arith.constant 3 : i32
        %add3A_548 = arith.addi %mul3A_300, %add3A_547 : i32
        %swap3A_549 = arith.constant 0 : i32
        %swap3A_550 = arith.index_cast %add3A_548 : i32 to index
        %swap3A_551 = arith.index_cast %swap3A_549 : i32 to index
        %swap3A_552 = arith.constant 48 : index
        %swap3A_553 = tpu.vector_load %arg15[%swap3A_550, %swap3A_551, %swap3A_552] {strides = array<i32>} : memref<128x1x64xf32, #tpu.memory_space<vmem>>, vector<1x1x16xf32>,
        %swap3A_554 = vector.shape_cast %swap3A_553 : vector<1x1x16xf32> to vector<16xf32>
        %swap3A_555 = vector.shape_cast %add3A_546 : vector<16xf32> to vector<1x1x16xf32>
        tpu.vector_store %arg15[%swap3A_550, %swap3A_551, %swap3A_552], %swap3A_555 {strides = array<i32>} : memref<128x1x64xf32, #tpu.memory_space<vmem>>, vector<1x1x16xf32>,
        %scan3A_556 = arith.constant 0 : i32
        scf.yield %scan3A_556 : i32
      }
      %scan3A_281 = arith.constant 32 : i32
      %add3A_282 = arith.constant 4 : i32
      %add3A_283 = arith.addi %add3A_246, %add3A_282 : i32
      %min3A_284 = arith.constant 199 : i32
      %min3A_285 = arith.minsi %add3A_283, %min3A_284 : i32
      %dma_start3A_286 = arith.constant 0 : i32
      %dma_start3A_287 = tpu.memref_slice %arg6[%min3A_285, %dma_start3A_286] : memref<200x128xi32, #tpu.memory_space<vmem>> -> memref<1x128xi32, #tpu.memory_space<vmem>>
      %dma_start3A_288 = tpu.memref_squeeze %dma_start3A_287 : memref<1x128xi32, #tpu.memory_space<vmem>> -> memref<128xi32, #tpu.memory_space<vmem>>
      %dma_start3A_289 = arith.constant 0 : i32
      %dma_start3A_290 = arith.constant 0 : i32
      %dma_start3A_291 = tpu.memref_slice %arg2[%dma_start3A_289, %dma_start3A_290] : memref<100000x64xf32, #tpu.memory_space<hbm>> -> memref<100000x64xf32, #tpu.memory_space<hbm>>
      tpu.enqueue_indirect_dma source(%dma_start3A_291 : memref<100000x64xf32, #tpu.memory_space<hbm>>) target(%arg11 : memref<128x64xf32, #tpu.memory_space<vmem>>) offsets(%dma_start3A_288 : memref<128xi32, #tpu.memory_space<vmem>>) semaphore(%arg19 : memref<!tpu.dma_semaphore, #tpu.memory_space<semaphore_mem>>)
      %dma_start3A_292 = arith.constant 0 : i32
      %dma_start3A_293 = tpu.memref_slice %arg5[%mul3A_2, %add3A_246, %dma_start3A_292] : memref<4096x200x64xf32, #tpu.memory_space<hbm>> -> memref<128x1x64xf32, #tpu.memory_space<hbm>>
      %dma_start3A_294 = arith.constant 0 : i32
      %dma_start3A_295 = tpu.memref_slice %arg5[%mul3A_2, %add3A_246, %dma_start3A_294] : memref<4096x200x64xf32, #tpu.memory_space<hbm>> -> memref<128x1x64xf32, #tpu.memory_space<hbm>>
      tpu.enqueue_dma source(%arg15 : memref<128x1x64xf32, #tpu.memory_space<vmem>>) target(%dma_start3A_295 : memref<128x1x64xf32, #tpu.memory_space<hbm>>) target_semaphore(%arg23 : memref<!tpu.dma_semaphore, #tpu.memory_space<semaphore_mem>>)
      %scan3A_296 = arith.constant 0 : i32
      scf.yield %scan3A_296 : i32
    }
    %scan3A_35 = arith.constant 50 : i32
    %dma_wait3A = arith.constant 0 : i32
    %dma_wait3A_36 = arith.constant 0 : i32
    %dma_wait3A_37 = tpu.memref_slice %arg6[%dma_wait3A, %dma_wait3A_36] : memref<200x128xi32, #tpu.memory_space<vmem>> -> memref<1x128xi32, #tpu.memory_space<vmem>>
    %dma_wait3A_38 = tpu.memref_squeeze %dma_wait3A_37 : memref<1x128xi32, #tpu.memory_space<vmem>> -> memref<128xi32, #tpu.memory_space<vmem>>
    %dma_wait3A_39 = arith.constant 0 : i32
    %dma_wait3A_40 = arith.constant 0 : i32
    %dma_wait3A_41 = tpu.memref_slice %arg2[%dma_wait3A_39, %dma_wait3A_40] : memref<100000x64xf32, #tpu.memory_space<hbm>> -> memref<100000x64xf32, #tpu.memory_space<hbm>>
    tpu.wait_indirect_dma semaphore(%arg16 : memref<!tpu.dma_semaphore, #tpu.memory_space<semaphore_mem>>) src(%dma_wait3A_41 : memref<100000x64xf32, #tpu.memory_space<hbm>>) dst(%arg8 : memref<128x64xf32, #tpu.memory_space<vmem>>)
    %dma_wait3A_42 = arith.constant 0 : i32
    %dma_wait3A_43 = arith.constant 0 : i32
    %dma_wait3A_44 = tpu.memref_slice %arg5[%mul3A_2, %dma_wait3A_42, %dma_wait3A_43] : memref<4096x200x64xf32, #tpu.memory_space<hbm>> -> memref<128x1x64xf32, #tpu.memory_space<hbm>>
    %dma_wait3A_45 = arith.constant 0 : i32
    %dma_wait3A_46 = arith.constant 0 : i32
    %dma_wait3A_47 = tpu.memref_slice %arg5[%mul3A_2, %dma_wait3A_45, %dma_wait3A_46] : memref<4096x200x64xf32, #tpu.memory_space<hbm>> -> memref<128x1x64xf32, #tpu.memory_space<hbm>>
    tpu.wait_dma2 semaphore(%arg20 : memref<!tpu.dma_semaphore, #tpu.memory_space<semaphore_mem>>) src(%arg12 : memref<128x1x64xf32, #tpu.memory_space<vmem>>) dst(%dma_wait3A_47 : memref<128x1x64xf32, #tpu.memory_space<hbm>>)
    %dma_wait3A_48 = arith.constant 0 : i32
    %dma_wait3A_49 = arith.constant 0 : i32
    %dma_wait3A_50 = tpu.memref_slice %arg6[%dma_wait3A_48, %dma_wait3A_49] : memref<200x128xi32, #tpu.memory_space<vmem>> -> memref<1x128xi32, #tpu.memory_space<vmem>>
    %dma_wait3A_51 = tpu.memref_squeeze %dma_wait3A_50 : memref<1x128xi32, #tpu.memory_space<vmem>> -> memref<128xi32, #tpu.memory_space<vmem>>
    %dma_wait3A_52 = arith.constant 0 : i32
    %dma_wait3A_53 = arith.constant 0 : i32
    %dma_wait3A_54 = tpu.memref_slice %arg2[%dma_wait3A_52, %dma_wait3A_53] : memref<100000x64xf32, #tpu.memory_space<hbm>> -> memref<100000x64xf32, #tpu.memory_space<hbm>>
    tpu.wait_indirect_dma semaphore(%arg17 : memref<!tpu.dma_semaphore, #tpu.memory_space<semaphore_mem>>) src(%dma_wait3A_54 : memref<100000x64xf32, #tpu.memory_space<hbm>>) dst(%arg9 : memref<128x64xf32, #tpu.memory_space<vmem>>)
    %dma_wait3A_55 = arith.constant 0 : i32
    %dma_wait3A_56 = arith.constant 0 : i32
    %dma_wait3A_57 = tpu.memref_slice %arg5[%mul3A_2, %dma_wait3A_55, %dma_wait3A_56] : memref<4096x200x64xf32, #tpu.memory_space<hbm>> -> memref<128x1x64xf32, #tpu.memory_space<hbm>>
    %dma_wait3A_58 = arith.constant 0 : i32
    %dma_wait3A_59 = arith.constant 0 : i32
    %dma_wait3A_60 = tpu.memref_slice %arg5[%mul3A_2, %dma_wait3A_58, %dma_wait3A_59] : memref<4096x200x64xf32, #tpu.memory_space<hbm>> -> memref<128x1x64xf32, #tpu.memory_space<hbm>>
    tpu.wait_dma2 semaphore(%arg21 : memref<!tpu.dma_semaphore, #tpu.memory_space<semaphore_mem>>) src(%arg13 : memref<128x1x64xf32, #tpu.memory_space<vmem>>) dst(%dma_wait3A_60 : memref<128x1x64xf32, #tpu.memory_space<hbm>>)
    %dma_wait3A_61 = arith.constant 0 : i32
    %dma_wait3A_62 = arith.constant 0 : i32
    %dma_wait3A_63 = tpu.memref_slice %arg6[%dma_wait3A_61, %dma_wait3A_62] : memref<200x128xi32, #tpu.memory_space<vmem>> -> memref<1x128xi32, #tpu.memory_space<vmem>>
    %dma_wait3A_64 = tpu.memref_squeeze %dma_wait3A_63 : memref<1x128xi32, #tpu.memory_space<vmem>> -> memref<128xi32, #tpu.memory_space<vmem>>
    %dma_wait3A_65 = arith.constant 0 : i32
    %dma_wait3A_66 = arith.constant 0 : i32
    %dma_wait3A_67 = tpu.memref_slice %arg2[%dma_wait3A_65, %dma_wait3A_66] : memref<100000x64xf32, #tpu.memory_space<hbm>> -> memref<100000x64xf32, #tpu.memory_space<hbm>>
    tpu.wait_indirect_dma semaphore(%arg18 : memref<!tpu.dma_semaphore, #tpu.memory_space<semaphore_mem>>) src(%dma_wait3A_67 : memref<100000x64xf32, #tpu.memory_space<hbm>>) dst(%arg10 : memref<128x64xf32, #tpu.memory_space<vmem>>)
    %dma_wait3A_68 = arith.constant 0 : i32
    %dma_wait3A_69 = arith.constant 0 : i32
    %dma_wait3A_70 = tpu.memref_slice %arg5[%mul3A_2, %dma_wait3A_68, %dma_wait3A_69] : memref<4096x200x64xf32, #tpu.memory_space<hbm>> -> memref<128x1x64xf32, #tpu.memory_space<hbm>>
    %dma_wait3A_71 = arith.constant 0 : i32
    %dma_wait3A_72 = arith.constant 0 : i32
    %dma_wait3A_73 = tpu.memref_slice %arg5[%mul3A_2, %dma_wait3A_71, %dma_wait3A_72] : memref<4096x200x64xf32, #tpu.memory_space<hbm>> -> memref<128x1x64xf32, #tpu.memory_space<hbm>>
    tpu.wait_dma2 semaphore(%arg22 : memref<!tpu.dma_semaphore, #tpu.memory_space<semaphore_mem>>) src(%arg14 : memref<128x1x64xf32, #tpu.memory_space<vmem>>) dst(%dma_wait3A_73 : memref<128x1x64xf32, #tpu.memory_space<hbm>>)
    %dma_wait3A_74 = arith.constant 0 : i32
    %dma_wait3A_75 = arith.constant 0 : i32
    %dma_wait3A_76 = tpu.memref_slice %arg6[%dma_wait3A_74, %dma_wait3A_75] : memref<200x128xi32, #tpu.memory_space<vmem>> -> memref<1x128xi32, #tpu.memory_space<vmem>>
    %dma_wait3A_77 = tpu.memref_squeeze %dma_wait3A_76 : memref<1x128xi32, #tpu.memory_space<vmem>> -> memref<128xi32, #tpu.memory_space<vmem>>
    %dma_wait3A_78 = arith.constant 0 : i32
    %dma_wait3A_79 = arith.constant 0 : i32
    %dma_wait3A_80 = tpu.memref_slice %arg2[%dma_wait3A_78, %dma_wait3A_79] : memref<100000x64xf32, #tpu.memory_space<hbm>> -> memref<100000x64xf32, #tpu.memory_space<hbm>>
    tpu.wait_indirect_dma semaphore(%arg19 : memref<!tpu.dma_semaphore, #tpu.memory_space<semaphore_mem>>) src(%dma_wait3A_80 : memref<100000x64xf32, #tpu.memory_space<hbm>>) dst(%arg11 : memref<128x64xf32, #tpu.memory_space<vmem>>)
    %dma_wait3A_81 = arith.constant 0 : i32
    %dma_wait3A_82 = arith.constant 0 : i32
    %dma_wait3A_83 = tpu.memref_slice %arg5[%mul3A_2, %dma_wait3A_81, %dma_wait3A_82] : memref<4096x200x64xf32, #tpu.memory_space<hbm>> -> memref<128x1x64xf32, #tpu.memory_space<hbm>>
    %dma_wait3A_84 = arith.constant 0 : i32
    %dma_wait3A_85 = arith.constant 0 : i32
    %dma_wait3A_86 = tpu.memref_slice %arg5[%mul3A_2, %dma_wait3A_84, %dma_wait3A_85] : memref<4096x200x64xf32, #tpu.memory_space<hbm>> -> memref<128x1x64xf32, #tpu.memory_space<hbm>>
    tpu.wait_dma2 semaphore(%arg23 : memref<!tpu.dma_semaphore, #tpu.memory_space<semaphore_mem>>) src(%arg15 : memref<128x1x64xf32, #tpu.memory_space<vmem>>) dst(%dma_wait3A_86 : memref<128x1x64xf32, #tpu.memory_space<hbm>>)
    return
  }
}

</mosaic_0001>

<sc_bundles>
// kernel: kernel.3.cloned.1.call-start
scs
__scs_entry_jumppad:
0x0: {  	(pc) =	sbr.rel $0x88, $3  }
0x1: {  	(tag) =	ssettag $0x0;
	lr =	simm.s32 $0x1  }
0x2: {  	[smem:$0x3F9E] =	sst lr;
	_ =	strace $0xD0000000  }
0x3: {  	_ = 	snop  }
0x4: {  	_ = 	snop  }
0x5: {  	_ = 	snop  }
0x6: {  	_ = 	snop  }
0x7: {  	_ = 	snop  }
__scs_overlays_trampoline_lowered:
0x8: {  	[smem:$0x3FAD] =	sst s0  }
0x9: {  	[smem:$0x3FAE] =	sst s1  }
0xa: {  	[smem:$0x3FAF] =	sst s2  }
0xb: {  	[smem:$0x3FB0] =	sst s3  }
0xc: {  	[smem:$0x3FB1] =	sst s4  }
0xd: {  	[smem:$0x3FB2] =	sst s5  }
0xe: {  	[smem:$0x3FB3] =	sst s6  }
0xf: {  	[smem:$0x3FB4] =	sst s7  }
0x10: {  	[smem:$0x3FB5] =	sst s8  }
0x11: {  	[smem:$0x3FB6] =	sst s9;
	s0 =	simm.s32 @!p0 $0x0  }
0x12: {  	s1 =	sld [smem:$0x3F9C];
	s0 =	simm.s32 @p0 $0x1  }
0x13: {  	[smem:$0x3FB7] =	sst s0;
	s0 =	simm.s32 @!p1 $0x0  }
0x14: {  	s2 =	sld [smem:$0x3F9B];
	s0 =	simm.s32 @p1 $0x1  }
0x15: {  	[smem:$0x3FB8] =	sst s0;
	s0 =	simm.s32 @!p2 $0x0  }
0x16: {  	s3 =	sld [smem:$0x3FDB];
	s0 =	simm.s32 @p2 $0x1  }
0x17: {  	s4 =	simm.s32 $0x1BF5;
	[smem:$0x3FBA] =	sst s0  }
0x18: {  	s0 =	sld [smem:$0x3F9D];
	_ =	swait.ge [sflag:s4], $0x0  }
0x19: {  	s7 =	sld [smem:$0x3F9E]  }
0x1a: {  	s8 =	sadd.s32 $0xFFFFE003, lr  }
0x1b: {  	s9 =	sadd.s32 $0xFFFFFEF7, lr;
	s5 =	simm.s32 $0xFFFFFFFF;
	p2 =	slt.u32 s8, $0xFFFFF086  }
0x1c: {  	p1 =	slt.u32 s9, $0xF7A;
	s5 =	simm.s32 @!p2 $0x0  }
0x1d: {  	s5 =	simm.s32 @p1 $0x1;
	p0 =	seq.s32 s7, s2  }
0x1e: {  	s7 =	smul.u32 @!p0 $0xF7A, s2;
	p2 =	seq.s32 @!p0 s5, $0x0  }
0x1f: {  	s9 =	smul.u32 $0xF7A, s1;
	s8 =	simm.s32 @!p0 $0x1BF5;
	p2 =	por !p2, p0  }
0x20: {  	[sflag:s8] =	ssyncset.s32 @!p0 $0xFFFFF086;
	s6 =	sadd.s32 @!p0 s3, s7;
	s7 =	simm.s32 @!p0 $0x108  }
0x21: {  	s3 =	sadd.s32 s3, s9;
	s6 =	sadd.s32 @!p0 $0x88, s6;
	s7 =	simm.s32 @p2 $0x1082  }
0x22: {  	[simem:s7], [sflag:s8] =	dma.local @!p0 [hbm:s6], $0xF7A  }
0x23: {  	s9 =	sor.u32 $0xD0000000, s2;
	s6 =	simm.s32 $0x108;
	_ =	swait.ge @!p0 [sflag:s8], $0x0  }
0x24: {  	s3 =	sadd.s32 $0x88, s3;
	s6 =	simm.s32 @!p1 $0x1082;
	[sflag:s4] =	ssyncset.s32 $0xFFFFF086  }
0x25: {  	[simem:s6], [sflag:s4] =	dma.local [hbm:s3], $0xF7A  }
0x26: {  	[smem:$0x3F9E] =	sst s1;
	(tag) =	ssettag s2;
	_ =	strace s9  }
0x27: {  	s1 =	sld [smem:$0x3FAE]  }
0x28: {  	s2 =	sld [smem:$0x3FAF]  }
0x29: {  	s4 =	sld [smem:$0x3FB1]  }
0x2a: {  	p0 =	seq.s32 s5, $0x0;
	s5 =	sld [smem:$0x3FB2]  }
0x2b: {  	s6 =	sld [smem:$0x3FB3]  }
0x2c: {  	s7 =	sld [smem:$0x3FB4]  }
0x2d: {  	s3 =	simm.s32 $0x108;
	s8 =	sld [smem:$0x3FB5]  }
0x2e: {  	s3 =	simm.s32 @!p0 $0x1082;
	s9 =	sld [smem:$0x3FB6]  }
0x2f: {  	lr =	sadd.s32 s0, s3;
	s0 =	sld [smem:$0x3FAD]  }
0x30: {  	s3 =	sld [smem:$0x3FB0]  }
0x31: {  	[smem:$0x3FB9] =	sst s10  }
0x32: {  	s10 =	sld [smem:$0x3FB7];
	_ =	sdelay $0x3  }
0x33: {  	p0 =	seq.s32 s10, $0x1;
	s10 =	sld [smem:$0x3FB9];
	_ =	sdelay $0x3  }
0x34: {  	[smem:$0x3FB9] =	sst s10  }
0x35: {  	s10 =	sld [smem:$0x3FB8];
	_ =	sdelay $0x3  }
0x36: {  	p1 =	seq.s32 s10, $0x1;
	s10 =	sld [smem:$0x3FB9];
	_ =	sdelay $0x3  }
0x37: {  	[smem:$0x3FB9] =	sst s10  }
0x38: {  	s10 =	sld [smem:$0x3FBA]  }
0x39: {  	_ = 	snop;
	(pc) =	sbr.ind lr, $3  }
0x3a: {  	_ = 	snop  }
0x3b: {  	_ = 	snop  }
0x3c: {  	p2 =	seq.s32 s10, $0x1;
	s10 =	sld [smem:$0x3FB9]  }
0x3d: {  	_ =	shalt  }
0x3e: {  	_ =	shalt  }
0x3f: {  	_ =	shalt  }
0x40: {  	_ =	shalt  }
0x41: {  	_ =	shalt  }
0x42: {  	_ =	shalt  }
0x43: {  	_ =	shalt  }
0x44: {  	_ =	shalt  }
0x45: {  	_ =	shalt  }
0x46: {  	_ =	shalt  }
0x47: {  	_ =	shalt  }
0x48: {  	_ =	shalt  }
0x49: {  	_ =	shalt  }
0x4a: {  	_ =	shalt  }
0x4b: {  	_ =	shalt  }
0x4c: {  	_ =	shalt  }
0x4d: {  	_ =	shalt  }
0x4e: {  	_ =	shalt  }
0x4f: {  	_ =	shalt  }
0x50: {  	_ =	shalt  }
0x51: {  	_ =	shalt  }
0x52: {  	_ =	shalt  }
0x53: {  	_ =	shalt  }
0x54: {  	_ =	shalt  }
0x55: {  	_ =	shalt  }
0x56: {  	_ =	shalt  }
0x57: {  	_ =	shalt  }
0x58: {  	_ =	shalt  }
0x59: {  	_ =	shalt  }
0x5a: {  	_ =	shalt  }
0x5b: {  	_ =	shalt  }
0x5c: {  	_ =	shalt  }
0x5d: {  	_ =	shalt  }
0x5e: {  	_ =	shalt  }
0x5f: {  	_ =	shalt  }
0x60: {  	_ =	shalt  }
0x61: {  	_ =	shalt  }
0x62: {  	_ =	shalt  }
0x63: {  	_ =	shalt  }
0x64: {  	_ =	shalt  }
0x65: {  	_ =	shalt  }
0x66: {  	_ =	shalt  }
0x67: {  	_ =	shalt  }
0x68: {  	_ =	shalt  }
0x69: {  	_ =	shalt  }
0x6a: {  	_ =	shalt  }
0x6b: {  	_ =	shalt  }
0x6c: {  	_ =	shalt  }
0x6d: {  	_ =	shalt  }
0x6e: {  	_ =	shalt  }
0x6f: {  	_ =	shalt  }
0x70: {  	_ =	shalt  }
0x71: {  	_ =	shalt  }
0x72: {  	_ =	shalt  }
0x73: {  	_ =	shalt  }
0x74: {  	_ =	shalt  }
0x75: {  	_ =	shalt  }
0x76: {  	_ =	shalt  }
0x77: {  	_ =	shalt  }
0x78: {  	_ =	shalt  }
0x79: {  	_ =	shalt  }
0x7a: {  	_ =	shalt  }
0x7b: {  	_ =	shalt  }
0x7c: {  	_ =	shalt  }
0x7d: {  	_ =	shalt  }
0x7e: {  	_ =	shalt  }
0x7f: {  	_ =	shalt  }
0x80: {  	_ =	shalt  }
0x81: {  	_ =	shalt  }
0x82: {  	_ =	shalt  }
0x83: {  	_ =	shalt  }
0x84: {  	_ =	shalt  }
0x85: {  	_ =	shalt  }
0x86: {  	_ =	shalt  }
0x87: {  	_ =	shalt  }
.Lfunc_end0:
.L_simem_size_0:
called_computation.1_lowered:
.L_overlay_start_0:
0x88: {  	s2 =	sld [smem:$0x3FD9]  }
0x89: {  	s3 =	sld [smem:$0x3FFE];
	_ =	sdelay $0x1  }
0x8a: {  	s1 =	srdreg.scid  }
0x8b: {  	s0 =	sand.u32 $0x1, s1  }
0x8c: {  	s17 =	sshll.u32 s0, $0xA;
	s2 =	sadd.s32 s3, s2  }
0x8d: {  	s2 =	sadd.s32 s2, s17  }
0x8e: {  	[smem:$0x3FC5] =	sst s2  }
0x8f: {  	_ = 	snop  }
0x90: {  	s2 =	sld [smem:$0x3FD0];
	(tm) =	ssettm $0x1  }
0x91: {  	s18 =	sld [smem:$0x3FFB];
	_ =	sdelay $0x3  }
0x92: {  	_ =	strace s18  }
0x93: {  	s3 =	sld [smem:$0x3FFC];
	_ =	sdelay $0x3  }
0x94: {  	_ =	strace s3  }
0x95: {  	s3 =	sld [smem:$0x3FFD];
	_ =	sdelay $0x3  }
0x96: {  	_ =	strace s3  }
0x97: {  	_ =	strace $0x8FFFFFFF  }
0x98: {  	s19 =	sld [smem:$0x3FDB];
	_ =	sdelay $0x1  }
0x99: {  	s4 =	simm.s32 $_scs_section_size  }
0x9a: {  	s5 =	simm.s32 $_size__tile_overlayer_lowered;
	s6 =	simm.s32 $_tile_overlayer_lowered  }
0x9b: {  	s22 =	simm.s32 $0x1BFF;
	s21 =	sshll.u32 s6, $0x1;
	s3 =	sadd.s32 s4, s19  }
0x9c: {  	s7 =	simm.s32 $0x0;
	s20 =	sshll.u32 s5, $0x1;
	s5 =	sadd.s32 s21, s3  }
0x9d: {  	[timem:s7], [sflag:s22] =	dma.local [hbm:s5], s20  }
0x9e: {  	_ =	swait.ge [sflag:s22], s20  }
0x9f: {  	s4 =	ssub.s32 $0x0, s20;
	[sflag:s22] =	ssyncset.done $0x0  }
0xa0: {  	[sflag:s22] =	ssyncadd.s32 s4;
	_ =	sdelay $0x1  }
0xa1: {  	s23 =	simm.s32 $0x1B8B  }
0xa2: {  	_ =	swait.ge [sflag:s23], $0x1  }
0xa3: {  	[sflag:s23] =	ssyncset.done $0x0  }
0xa4: {  	s25 =	simm.s32 $0x1B8E;
	s24 =	sld [smem:$0x3FFE];
	[sflag:s23] =	ssyncadd.s32 $0xFFFFFFFF  }
0xa5: {  	s26 =	simm.s32 $execute0_lowered;
	[smem:$0x3FD2] =	sst s25  }
0xa6: {  	s5 =	sshll.u32 s26, $0x1;
	_ =	strace $0x80000046;
	[dreg:$0x1] =	wrdreg $0xFFFFFFFF  }
0xa7: {  	s28 =	simm.s32 $_size_execute0_lowered;
	s3 =	sadd.s32 s3, s5;
	[dreg:$0x0] =	wrdreg $0x0  }
0xa8: {  	s5 =	sshll.u32 s28, $0x1;
	[dreg:$0x2] =	wrdreg s3  }
0xa9: {  	[dreg:$0x3] =	wrdreg s5  }
0xaa: {  	[dreg:$0x4] =	wrdreg $0xC0  }
0xab: {  	_ =	task [dreg:s7], $0x5FFFF  }
0xac: {  	[dreg:$0x1] =	wrdreg $0xFFFFFFFF  }
0xad: {  	[dreg:$0x0] =	wrdreg $0x60  }
0xae: {  	[dreg:$0x2] =	wrdreg s24  }
0xaf: {  	[dreg:$0x3] =	wrdreg s2  }
0xb0: {  	[dreg:$0x4] =	wrdreg $0x9  }
0xb1: {  	_ =	task.clear_ibuf [dreg:s7], $0x5FFFF;
	_ =	strace $0x90000046  }
0xb2: {  	s29 =	simm.s32 $0x9;
	_ =	strace $0x80000048  }
0xb3: {  	_ =	swait.ge [sflag:s29], $0x1  }
0xb4: {  	[sflag:s29] =	ssyncadd.s32 $0xFFFFFFFF  }
0xb5: {  	_ =	strace $0x90000048  }
0xb6: {  	_ =	sfence  }
0xb7: {  	s30 =	sld [smem:$0x0];
	_ =	sdelay $0x2  }
0xb8: {  	s31 =	sshll.u32 s1, $0xD;
	s1 =	sshrl.u32 s1, $0x2  }
0xb9: {  	s3 =	sand.u32 $0x4000, s31;
	s1 =	sadd.s32 s1, s30  }
0xba: {  	s0 =	sor.u32 s3, s0;
	s1 =	sshll.u32 s1, $0x11  }
0xbb: {  	s0 =	sor.u32 s1, s0  }
0xbc: {  	s0 =	sadd.s32 $0x8F2B, s0  }
0xbd: {  	[sflag:s0] =	ssyncadd.remote.s32 $0x1  }
0xbe: {  	_ =	sfence.sel $0xFFFF  }
0xbf: {  	[dreg:$0x0] =	wrdreg $0xFFFFFFFF;
	(pc) =	sbr.abs _section_cstart, $3  }
0xc0: {  	[dreg:$0x1] =	wrdreg $0xFFFFFFFF  }
0xc1: {  	_ =	task.clear_ibuf [dreg:s7], $0x2FFFF;
	_ =	strace $0x9FFFFFFF  }
0xc2: {  	(tm) =	ssettm $0x7FFFFFFF  }
0xc3: {  	_ =	shalt  }
tec
execute0_lowered:
.L_overlay_start_1:
0x0: {  	(tag) =	ssettag $0x1  }
0x1: {  	s0 =	rddreg [dreg:$0x0]  }
0x2: {  	s2 =	rddreg [dreg:$0x1];
	s1 =	srdreg.scid  }
0x3: {  	s3 =	stileid.u32;
	s5 =	simm.s32 $0x0;
	s9 =	simm.s32 $0x80  }
0x4: {  	s11 =	simm.s32 $0x9;
	s13 =	simm.s32 $0x9600;
	s14 =	simm.s32 $0xB600  }
0x5: {  	s16 =	simm.s32 $0xD600;
	s18 =	simm.s32 $0xF600;
	s19 =	simm.s32 $0x1  }
0x6: {  	s20 =	simm.s32 $0x40;
	s21 =	simm.s32 $0x3200;
	s22 =	simm.s32 $0x11600  }
0x7: {  	s23 =	simm.s32 $0x2;
	s28 =	simm.s32 $0x4;
	s29 =	simm.s32 $0x17600  }
0x8: {  	s30 =	simm.s32 $0x5;
	s31 =	simm.s32 $0x6;
	s10 =	simm.s32 $0x0  }
0x9: {  	s1 =	sand.u32 $0x1, s1;
	s3 =	sshll.u32 s3, $0x8;
	[smem:$0x7FF] =	sst s5  }
0xa: {  	s4 =	sshll.u32 s1, $0x7;
	_ =	strace $0x80000047;
	s1 =	ssub.s32 $0x2, s1  }
0xb: {  	s3 =	sor.u32 s4, s3;
	s4 =	sadd.s32 $0x1A000, s0;
	s6 =	sshrl.u32 s1, $0x1  }
0xc: {  	s24 =	sshrl.u32 s3, $0x3;
	s25 =	ssub.s32 s1, s6;
	s7 =	smul.u32 $0x3200, s3  }
0xd: {  	s1 =	simm.s32 $0x8;
	s5 =	sadd.s32 s24, s0;
	s0 =	sadd.s32 $0x800, s0  }
0xe: {  	s24 =	simm.s32 $0x13600;
	[dreg:$0x3] =	wrdreg s0;
	s26 =	sadd.s32 $0x1000, s5  }
0xf: {  	s0 =	smax.u32 s25, $0x1;
	s25 =	simm.s32 $0x3;
	[dreg:$0x4] =	wrdreg s26  }
0x10: {  	[dreg:$0x5] =	wrdreg s0;
	s26 =	simm.s32 $0x15600;
	s0 =	simm.s32 $0x7  }
.LBB2_1:
0x11: {  	s3 =	simm.s32 $0x0;
	s5 =	rddreg [dreg:$0x4];
	s6 =	simm.s32 $0x1000  }
0x12: {  	[tilespmem:s3], [sflag:$0x9] =	stream.strided.gather [hbm4b:s5+s9], $0x6400, s6, s9, $0x38;
	[tilespmem:$0x19600] =	vst v63  }
0x13: {  	_ =	swait.ge [sflag:s11], $0x6400  }
0x14: {  	[sflag:s11] =	ssyncset.done $0x0  }
0x15: {  	s12 =	simm.s32 $0x6400;
	s8 =	rddreg [dreg:$0x3];
	[sflag:s11] =	ssyncadd.s32 $0xFFFF9C00  }
0x16: {  	[tilespmem:s12], [sflag:$0x9] =	stream.linear.gather [hbm4b:s8+s3], $0x3200, $0x38;
	[tilespmem:$0x19600] =	vst v63  }
0x17: {  	_ =	swait.ge [sflag:s11], $0x3200  }
0x18: {  	[sflag:s11] =	ssyncset.done $0x0  }
0x19: {  	[sflag:s11] =	ssyncadd.s32 $0xFFFFCE00  }
0x1a: {  	[tilespmem:s13], [sflag:$0x1] =	stream.indirect.gather [hbm4b:s4+s9], $0x40, s3, s9, $0xb8;
	[tilespmem:$0x19600] =	vst v63  }
0x1b: {  	_ = 	snop  }
0x1c: {  	[tilespmem:s14], [sflag:$0x2] =	stream.indirect.gather [hbm4b:s4+s9], $0x40, s9, s9, $0xb8;
	[tilespmem:$0x19600] =	vst v63  }
0x1d: {  	s15 =	simm.s32 $0x100  }
0x1e: {  	[tilespmem:s16], [sflag:$0x3] =	stream.indirect.gather [hbm4b:s4+s9], $0x40, s15, s9, $0xb8;
	[tilespmem:$0x19600] =	vst v63  }
0x1f: {  	s17 =	simm.s32 $0x180;
	s12 =	simm.s32 $0x0  }
0x20: {  	[tilespmem:s18], [sflag:$0x4] =	stream.indirect.gather [hbm4b:s4+s9], $0x40, s17, s9, $0xb8;
	[tilespmem:$0x19600] =	vst v63  }
.LBB2_2:
0x21: {  	_ =	swait.ge [sflag:s19], $0x2000  }
0x22: {  	p0 =	seq.s32 s12, $0x0;
	[sflag:s19] =	ssyncset.done $0x0  }
0x23: {  	s3 =	simm.s32 @!p0 $0x5;
	[sflag:s19] =	ssyncadd.s32 $0xFFFFE000  }
0x24: {  	_ =	swait.ge @!p0 [sflag:s3], $0x2000  }
0x25: {  	[sflag:s3] =	ssyncset.done @!p0 $0x0  }
0x26: {  	s17 =	sshll.u32 s12, $0x8;
	[sflag:s3] =	ssyncadd.s32 @!p0 $0xFFFFE000  }
0x27: {  	v2 =	vld [tilespmem:s17+$0x6400]  }
0x28: {  	v1 =	vld [tilespmem:s17+$0x6410]  }
0x29: {  	v0 =	vld [tilespmem:s17+$0x6420]  }
0x2a: {  	s5 =	simm.s32 $0x0;
	v3 =	vld [tilespmem:s17+$0x6430]  }
0x2b: {  	v4 =	vld [tilespmem:s5+$0x96F0]  }
0x2c: {  	v5 =	vld [tilespmem:s5+$0x9600]  }
0x2d: {  	v6 =	vld [tilespmem:s5+$0x9610]  }
0x2e: {  	v7 =	vld [tilespmem:s5+$0x9620]  }
0x2f: {  	v10 =	vld [tilespmem:s5+$0x9650]  }
0x30: {  	v8 =	vld [tilespmem:s5+$0x9630];
	v4 =	vadd.f32 v4, v3  }
0x31: {  	v9 =	vld [tilespmem:s5+$0x9640];
	v5 =	vadd.f32 v5, v2  }
0x32: {  	v11 =	vld [tilespmem:s5+$0x9660];
	[tilespmem:s5+$0x116F0] =	vst v4;
	v4 =	vadd.f32 v6, v1  }
0x33: {  	v12 =	vld [tilespmem:s5+$0x9670];
	[tilespmem:s5+$0x11600] =	vst v5;
	v5 =	vadd.f32 v7, v0  }
0x34: {  	v6 =	vadd.f32 v10, v1;
	[tilespmem:s5+$0x11610] =	vst v4  }
0x35: {  	v13 =	vld [tilespmem:s5+$0x9680];
	v4 =	vadd.f32 v8, v3;
	[tilespmem:s5+$0x11620] =	vst v5  }
0x36: {  	v8 =	vld [tilespmem:s5+$0x9690];
	v5 =	vadd.f32 v9, v2;
	[tilespmem:s5+$0x11650] =	vst v6  }
0x37: {  	v7 =	vadd.f32 v11, v0;
	[tilespmem:s5+$0x11630] =	vst v4;
	v4 =	vld [tilespmem:s5+$0x96A0]  }
0x38: {  	v9 =	vadd.f32 v12, v3;
	[tilespmem:s5+$0x11640] =	vst v5;
	v5 =	vld [tilespmem:s5+$0x96B0]  }
0x39: {  	v6 =	vld [tilespmem:s5+$0x96C0];
	[tilespmem:s5+$0x11660] =	vst v7  }
0x3a: {  	v7 =	vld [tilespmem:s5+$0x96D0];
	[tilespmem:s5+$0x11670] =	vst v9;
	v9 =	vadd.f32 v13, v2  }
0x3b: {  	s15 =	sshll.u32 s12, $0x2;
	s6 =	simm.s32 $0x100;
	s8 =	simm.s32 $0x800;
	v10 =	vadd.f32 v8, v1;
	v8 =	vld [tilespmem:s5+$0x96E0]  }
.LBB2_3:
0x3c: {  	p1 =	sne.s32 s8, $0x7C00;
	v11 =	vld [tilespmem:s6+$0x96F0];
	[tilespmem:s5+$0x11680] =	vst v9;
	v4 =	vadd.f32 v4, v0  }
0x3d: {  	v9 =	vld [tilespmem:s6+$0x9600];
	[tilespmem:s5+$0x11690] =	vst v10;
	v5 =	vadd.f32 v5, v3  }
0x3e: {  	v10 =	vld [tilespmem:s6+$0x9610];
	[tilespmem:s5+$0x116A0] =	vst v4;
	v4 =	vadd.f32 v6, v2  }
0x3f: {  	v6 =	vld [tilespmem:s6+$0x9620];
	[tilespmem:s5+$0x116B0] =	vst v5;
	v5 =	vadd.f32 v7, v1  }
0x40: {  	v7 =	vld [tilespmem:s6+$0x9630];
	[tilespmem:s5+$0x116C0] =	vst v4;
	v4 =	vadd.f32 v8, v0  }
0x41: {  	v8 =	vld [tilespmem:s6+$0x9640];
	v11 =	vadd.f32 v11, v3;
	[tilespmem:s5+$0x116D0] =	vst v5  }
0x42: {  	v5 =	vadd.f32 v9, v2;
	v9 =	vld [tilespmem:s6+$0x9650];
	[tilespmem:s5+$0x116E0] =	vst v4;
	s5 =	smov.u32 s6  }
0x43: {  	v4 =	vadd.f32 v10, v1;
	v10 =	vld [tilespmem:s5+$0x9660];
	[tilespmem:s5+$0x116F0] =	vst v11  }
0x44: {  	[tilespmem:s5+$0x11600] =	vst v5;
	v5 =	vadd.f32 v6, v0;
	v6 =	vld [tilespmem:s5+$0x9670]  }
0x45: {  	[tilespmem:s5+$0x11610] =	vst v4;
	v4 =	vadd.f32 v7, v3;
	v7 =	vld [tilespmem:s5+$0x9680]  }
0x46: {  	[tilespmem:s5+$0x11620] =	vst v5;
	v5 =	vadd.f32 v8, v2;
	v8 =	vld [tilespmem:s5+$0x9690]  }
.Ltmp0:
0x47: {  	[tilespmem:s5+$0x11630] =	vst v4;
	v9 =	vadd.f32 v9, v1;
	v4 =	vld [tilespmem:s5+$0x96A0];
	(pc) =	sbr.rel @p1 .LBB2_3-.Ltmp0, $4  }
0x48: {  	[tilespmem:s5+$0x11640] =	vst v5;
	v10 =	vadd.f32 v10, v0;
	v5 =	vld [tilespmem:s5+$0x96B0]  }
0x49: {  	[tilespmem:s5+$0x11650] =	vst v9;
	v11 =	vadd.f32 v6, v3;
	v6 =	vld [tilespmem:s5+$0x96C0]  }
0x4a: {  	[tilespmem:s5+$0x11660] =	vst v10;
	v9 =	vadd.f32 v7, v2;
	v7 =	vld [tilespmem:s5+$0x96D0]  }
0x4b: {  	s6 =	sshra.s32 s8, $0x2;
	s8 =	sadd.s32 $0x400, s8;
	[tilespmem:s5+$0x11670] =	vst v11;
	v10 =	vadd.f32 v8, v1;
	v8 =	vld [tilespmem:s5+$0x96E0]  }
0x4c: {  	v11 =	vld [tilespmem:s6+$0x96F0];
	[tilespmem:s5+$0x11680] =	vst v9;
	v4 =	vadd.f32 v4, v0  }
0x4d: {  	v9 =	vld [tilespmem:s6+$0x9600];
	[tilespmem:s5+$0x11690] =	vst v10;
	v5 =	vadd.f32 v5, v3  }
0x4e: {  	v10 =	vld [tilespmem:s6+$0x9610];
	[tilespmem:s5+$0x116A0] =	vst v4;
	v6 =	vadd.f32 v6, v2  }
0x4f: {  	v4 =	vld [tilespmem:s6+$0x9620];
	[tilespmem:s5+$0x116B0] =	vst v5;
	v7 =	vadd.f32 v7, v1  }
0x50: {  	v5 =	vld [tilespmem:s6+$0x9630];
	[tilespmem:s5+$0x116C0] =	vst v6;
	v8 =	vadd.f32 v8, v0  }
0x51: {  	v6 =	vld [tilespmem:s6+$0x9640];
	[tilespmem:s5+$0x116D0] =	vst v7;
	v11 =	vadd.f32 v11, v3  }
0x52: {  	v7 =	vld [tilespmem:s6+$0x9650];
	[tilespmem:s5+$0x116E0] =	vst v8;
	v8 =	vadd.f32 v9, v2  }
0x53: {  	v9 =	vld [tilespmem:s6+$0x9660];
	[tilespmem:s6+$0x116F0] =	vst v11;
	v10 =	vadd.f32 v10, v1  }
0x54: {  	[tilespmem:s6+$0x11600] =	vst v8;
	v8 =	vld [tilespmem:s6+$0x9670];
	v4 =	vadd.f32 v4, v0  }
0x55: {  	[tilespmem:s6+$0x11610] =	vst v10;
	v10 =	vld [tilespmem:s6+$0x9680];
	v5 =	vadd.f32 v5, v3  }
0x56: {  	[tilespmem:s6+$0x11620] =	vst v4;
	v4 =	vld [tilespmem:s6+$0x9690];
	v6 =	vadd.f32 v6, v2  }
0x57: {  	[tilespmem:s6+$0x11630] =	vst v5;
	v5 =	vld [tilespmem:s6+$0x96A0];
	v7 =	vadd.f32 v7, v1  }
0x58: {  	[tilespmem:s6+$0x11640] =	vst v6;
	v6 =	vld [tilespmem:s6+$0x96B0];
	v9 =	vadd.f32 v9, v0  }
0x59: {  	[tilespmem:s6+$0x11650] =	vst v7;
	v7 =	vld [tilespmem:s6+$0x96C0];
	v8 =	vadd.f32 v8, v3  }
0x5a: {  	[tilespmem:s6+$0x11660] =	vst v9;
	v9 =	vld [tilespmem:s6+$0x96D0];
	v10 =	vadd.f32 v10, v2  }
0x5b: {  	[tilespmem:s6+$0x11670] =	vst v8;
	v4 =	vadd.f32 v4, v1;
	v8 =	vld [tilespmem:s6+$0x96E0]  }
0x5c: {  	[tilespmem:s6+$0x11680] =	vst v10;
	v5 =	vadd.f32 v5, v0  }
0x5d: {  	[tilespmem:s6+$0x11690] =	vst v4;
	v3 =	vadd.f32 v6, v3  }
0x5e: {  	[tilespmem:s6+$0x116A0] =	vst v5;
	v2 =	vadd.f32 v7, v2  }
0x5f: {  	[tilespmem:s6+$0x116B0] =	vst v3;
	v1 =	vadd.f32 v9, v1  }
0x60: {  	s3 =	smin.u32 s15, $0xC3;
	[tilespmem:s6+$0x116C0] =	vst v2;
	v0 =	vadd.f32 v8, v0  }
0x61: {  	s3 =	sshll.u32 s3, $0x7;
	[tilespmem:s6+$0x116D0] =	vst v1  }
0x62: {  	s8 =	sor.u32 s7, s17;
	s3 =	sadd.s32 $0x200, s3;
	[tilespmem:s6+$0x116E0] =	vst v0  }
0x63: {  	[tilespmem:s13], [sflag:$0x1] =	stream.indirect.gather [hbm4b:s4+s9], $0x40, s3, s9, $0xb8;
	[tilespmem:$0x19600] =	vst v63  }
0x64: {  	s3 =	sshrl.u32 s8, $0x3  }
0x65: {  	s3 =	sadd.s32 s2, s3  }
0x66: {  	[hbm4b:s3+s20] =	stream.strided.scatter [tilespmem:s22], [sflag:$0x5], $0x2000, s21, s20, $0x38;
	[tilespmem:$0x19600] =	vst v63  }
0x67: {  	_ =	swait.ge [sflag:s23], $0x2000  }
0x68: {  	[sflag:s23] =	ssyncset.done $0x0  }
0x69: {  	s3 =	simm.s32 @!p0 $0x6;
	[sflag:s23] =	ssyncadd.s32 $0xFFFFE000  }
0x6a: {  	_ =	swait.ge @!p0 [sflag:s3], $0x2000  }
0x6b: {  	[sflag:s3] =	ssyncset.done @!p0 $0x0  }
0x6c: {  	[sflag:s3] =	ssyncadd.s32 @!p0 $0xFFFFE000  }
0x6d: {  	v2 =	vld [tilespmem:s17+$0x6440]  }
0x6e: {  	v1 =	vld [tilespmem:s17+$0x6450]  }
0x6f: {  	v0 =	vld [tilespmem:s17+$0x6460]  }
0x70: {  	s6 =	simm.s32 $0x0;
	v3 =	vld [tilespmem:s17+$0x6470]  }
0x71: {  	v4 =	vld [tilespmem:s6+$0xB6F0]  }
0x72: {  	v5 =	vld [tilespmem:s6+$0xB600]  }
0x73: {  	v6 =	vld [tilespmem:s6+$0xB610]  }
0x74: {  	v7 =	vld [tilespmem:s6+$0xB620]  }
0x75: {  	v10 =	vld [tilespmem:s6+$0xB650]  }
0x76: {  	v8 =	vld [tilespmem:s6+$0xB630];
	v4 =	vadd.f32 v4, v3  }
0x77: {  	v9 =	vld [tilespmem:s6+$0xB640];
	v5 =	vadd.f32 v5, v2  }
0x78: {  	v11 =	vld [tilespmem:s6+$0xB660];
	[tilespmem:s6+$0x136F0] =	vst v4;
	v4 =	vadd.f32 v6, v1  }
0x79: {  	v12 =	vld [tilespmem:s6+$0xB670];
	[tilespmem:s6+$0x13600] =	vst v5;
	v5 =	vadd.f32 v7, v0  }
0x7a: {  	v6 =	vadd.f32 v10, v1;
	[tilespmem:s6+$0x13610] =	vst v4  }
0x7b: {  	v13 =	vld [tilespmem:s6+$0xB680];
	v4 =	vadd.f32 v8, v3;
	[tilespmem:s6+$0x13620] =	vst v5  }
0x7c: {  	v8 =	vld [tilespmem:s6+$0xB690];
	v5 =	vadd.f32 v9, v2;
	[tilespmem:s6+$0x13650] =	vst v6  }
0x7d: {  	v7 =	vadd.f32 v11, v0;
	[tilespmem:s6+$0x13630] =	vst v4;
	v4 =	vld [tilespmem:s6+$0xB6A0]  }
0x7e: {  	v9 =	vadd.f32 v12, v3;
	[tilespmem:s6+$0x13640] =	vst v5;
	v5 =	vld [tilespmem:s6+$0xB6B0]  }
0x7f: {  	v6 =	vld [tilespmem:s6+$0xB6C0];
	[tilespmem:s6+$0x13660] =	vst v7  }
0x80: {  	v7 =	vld [tilespmem:s6+$0xB6D0];
	[tilespmem:s6+$0x13670] =	vst v9;
	v9 =	vadd.f32 v13, v2  }
0x81: {  	s5 =	sor.u32 $0x40, s17;
	s8 =	simm.s32 $0x100;
	s3 =	simm.s32 $0x800;
	v10 =	vadd.f32 v8, v1;
	v8 =	vld [tilespmem:s6+$0xB6E0]  }
.LBB2_5:
0x82: {  	p1 =	sne.s32 s3, $0x7C00;
	v11 =	vld [tilespmem:s8+$0xB6F0];
	[tilespmem:s6+$0x13680] =	vst v9;
	v4 =	vadd.f32 v4, v0  }
0x83: {  	v9 =	vld [tilespmem:s8+$0xB600];
	[tilespmem:s6+$0x13690] =	vst v10;
	v5 =	vadd.f32 v5, v3  }
0x84: {  	v10 =	vld [tilespmem:s8+$0xB610];
	[tilespmem:s6+$0x136A0] =	vst v4;
	v4 =	vadd.f32 v6, v2  }
0x85: {  	v6 =	vld [tilespmem:s8+$0xB620];
	[tilespmem:s6+$0x136B0] =	vst v5;
	v5 =	vadd.f32 v7, v1  }
0x86: {  	v7 =	vld [tilespmem:s8+$0xB630];
	[tilespmem:s6+$0x136C0] =	vst v4;
	v4 =	vadd.f32 v8, v0  }
0x87: {  	v8 =	vld [tilespmem:s8+$0xB640];
	v11 =	vadd.f32 v11, v3;
	[tilespmem:s6+$0x136D0] =	vst v5  }
0x88: {  	v5 =	vadd.f32 v9, v2;
	v9 =	vld [tilespmem:s8+$0xB650];
	[tilespmem:s6+$0x136E0] =	vst v4;
	s6 =	smov.u32 s8  }
0x89: {  	v4 =	vadd.f32 v10, v1;
	v10 =	vld [tilespmem:s6+$0xB660];
	[tilespmem:s6+$0x136F0] =	vst v11  }
0x8a: {  	[tilespmem:s6+$0x13600] =	vst v5;
	v5 =	vadd.f32 v6, v0;
	v6 =	vld [tilespmem:s6+$0xB670]  }
0x8b: {  	[tilespmem:s6+$0x13610] =	vst v4;
	v4 =	vadd.f32 v7, v3;
	v7 =	vld [tilespmem:s6+$0xB680]  }
0x8c: {  	[tilespmem:s6+$0x13620] =	vst v5;
	v5 =	vadd.f32 v8, v2;
	v8 =	vld [tilespmem:s6+$0xB690]  }
.Ltmp1:
0x8d: {  	[tilespmem:s6+$0x13630] =	vst v4;
	v9 =	vadd.f32 v9, v1;
	v4 =	vld [tilespmem:s6+$0xB6A0];
	(pc) =	sbr.rel @p1 .LBB2_5-.Ltmp1, $4  }
0x8e: {  	[tilespmem:s6+$0x13640] =	vst v5;
	v10 =	vadd.f32 v10, v0;
	v5 =	vld [tilespmem:s6+$0xB6B0]  }
0x8f: {  	[tilespmem:s6+$0x13650] =	vst v9;
	v11 =	vadd.f32 v6, v3;
	v6 =	vld [tilespmem:s6+$0xB6C0]  }
0x90: {  	[tilespmem:s6+$0x13660] =	vst v10;
	v9 =	vadd.f32 v7, v2;
	v7 =	vld [tilespmem:s6+$0xB6D0]  }
0x91: {  	s8 =	sshra.s32 s3, $0x2;
	s3 =	sadd.s32 $0x400, s3;
	[tilespmem:s6+$0x13670] =	vst v11;
	v10 =	vadd.f32 v8, v1;
	v8 =	vld [tilespmem:s6+$0xB6E0]  }
0x92: {  	v11 =	vld [tilespmem:s8+$0xB6F0];
	[tilespmem:s6+$0x13680] =	vst v9;
	v4 =	vadd.f32 v4, v0  }
0x93: {  	v9 =	vld [tilespmem:s8+$0xB600];
	[tilespmem:s6+$0x13690] =	vst v10;
	v5 =	vadd.f32 v5, v3  }
0x94: {  	v10 =	vld [tilespmem:s8+$0xB610];
	[tilespmem:s6+$0x136A0] =	vst v4;
	v6 =	vadd.f32 v6, v2  }
0x95: {  	v4 =	vld [tilespmem:s8+$0xB620];
	[tilespmem:s6+$0x136B0] =	vst v5;
	v7 =	vadd.f32 v7, v1  }
0x96: {  	v5 =	vld [tilespmem:s8+$0xB630];
	[tilespmem:s6+$0x136C0] =	vst v6;
	v8 =	vadd.f32 v8, v0  }
0x97: {  	v6 =	vld [tilespmem:s8+$0xB640];
	[tilespmem:s6+$0x136D0] =	vst v7;
	v11 =	vadd.f32 v11, v3  }
0x98: {  	v7 =	vld [tilespmem:s8+$0xB650];
	[tilespmem:s6+$0x136E0] =	vst v8;
	v8 =	vadd.f32 v9, v2  }
0x99: {  	v9 =	vld [tilespmem:s8+$0xB660];
	[tilespmem:s8+$0x136F0] =	vst v11;
	v10 =	vadd.f32 v10, v1  }
0x9a: {  	[tilespmem:s8+$0x13600] =	vst v8;
	v8 =	vld [tilespmem:s8+$0xB670];
	v4 =	vadd.f32 v4, v0  }
0x9b: {  	[tilespmem:s8+$0x13610] =	vst v10;
	v10 =	vld [tilespmem:s8+$0xB680];
	v5 =	vadd.f32 v5, v3  }
0x9c: {  	[tilespmem:s8+$0x13620] =	vst v4;
	v4 =	vld [tilespmem:s8+$0xB690];
	v6 =	vadd.f32 v6, v2  }
0x9d: {  	[tilespmem:s8+$0x13630] =	vst v5;
	v5 =	vld [tilespmem:s8+$0xB6A0];
	v7 =	vadd.f32 v7, v1  }
0x9e: {  	[tilespmem:s8+$0x13640] =	vst v6;
	v6 =	vld [tilespmem:s8+$0xB6B0];
	v9 =	vadd.f32 v9, v0  }
0x9f: {  	[tilespmem:s8+$0x13650] =	vst v7;
	v7 =	vld [tilespmem:s8+$0xB6C0];
	v8 =	vadd.f32 v8, v3  }
0xa0: {  	[tilespmem:s8+$0x13660] =	vst v9;
	v9 =	vld [tilespmem:s8+$0xB6D0];
	v10 =	vadd.f32 v10, v2  }
0xa1: {  	[tilespmem:s8+$0x13670] =	vst v8;
	v4 =	vadd.f32 v4, v1;
	v8 =	vld [tilespmem:s8+$0xB6E0]  }
0xa2: {  	[tilespmem:s8+$0x13680] =	vst v10;
	v5 =	vadd.f32 v5, v0  }
0xa3: {  	[tilespmem:s8+$0x13690] =	vst v4;
	v3 =	vadd.f32 v6, v3  }
0xa4: {  	[tilespmem:s8+$0x136A0] =	vst v5;
	v2 =	vadd.f32 v7, v2  }
0xa5: {  	[tilespmem:s8+$0x136B0] =	vst v3;
	v1 =	vadd.f32 v9, v1  }
0xa6: {  	s3 =	smin.u32 s15, $0xC2;
	[tilespmem:s8+$0x136C0] =	vst v2;
	v0 =	vadd.f32 v8, v0  }
0xa7: {  	s3 =	sshll.u32 s3, $0x7;
	[tilespmem:s8+$0x136D0] =	vst v1  }
0xa8: {  	s3 =	sadd.s32 $0x280, s3;
	[tilespmem:s8+$0x136E0] =	vst v0;
	s8 =	sor.u32 s7, s5  }
0xa9: {  	[tilespmem:s14], [sflag:$0x2] =	stream.indirect.gather [hbm4b:s4+s9], $0x40, s3, s9, $0xb8;
	[tilespmem:$0x19600] =	vst v63  }
0xaa: {  	s3 =	sshrl.u32 s8, $0x3  }
0xab: {  	s3 =	sadd.s32 s2, s3  }
0xac: {  	[hbm4b:s3+s20] =	stream.strided.scatter [tilespmem:s24], [sflag:$0x6], $0x2000, s21, s20, $0x38;
	[tilespmem:$0x19600] =	vst v63  }
0xad: {  	_ =	swait.ge [sflag:s25], $0x2000  }
0xae: {  	[sflag:s25] =	ssyncset.done $0x0  }
0xaf: {  	s3 =	simm.s32 @!p0 $0x7;
	[sflag:s25] =	ssyncadd.s32 $0xFFFFE000  }
0xb0: {  	_ =	swait.ge @!p0 [sflag:s3], $0x2000  }
0xb1: {  	[sflag:s3] =	ssyncset.done @!p0 $0x0  }
0xb2: {  	[sflag:s3] =	ssyncadd.s32 @!p0 $0xFFFFE000  }
0xb3: {  	v2 =	vld [tilespmem:s17+$0x6480]  }
0xb4: {  	v1 =	vld [tilespmem:s17+$0x6490]  }
0xb5: {  	v0 =	vld [tilespmem:s17+$0x64A0]  }
0xb6: {  	s6 =	simm.s32 $0x0;
	v3 =	vld [tilespmem:s17+$0x64B0]  }
0xb7: {  	v4 =	vld [tilespmem:s6+$0xD6F0]  }
0xb8: {  	v5 =	vld [tilespmem:s6+$0xD600]  }
0xb9: {  	v6 =	vld [tilespmem:s6+$0xD610]  }
0xba: {  	v7 =	vld [tilespmem:s6+$0xD620]  }
0xbb: {  	v10 =	vld [tilespmem:s6+$0xD650]  }
0xbc: {  	v8 =	vld [tilespmem:s6+$0xD630];
	v4 =	vadd.f32 v4, v3  }
0xbd: {  	v9 =	vld [tilespmem:s6+$0xD640];
	v5 =	vadd.f32 v5, v2  }
0xbe: {  	v11 =	vld [tilespmem:s6+$0xD660];
	[tilespmem:s6+$0x156F0] =	vst v4;
	v4 =	vadd.f32 v6, v1  }
0xbf: {  	v12 =	vld [tilespmem:s6+$0xD670];
	[tilespmem:s6+$0x15600] =	vst v5;
	v5 =	vadd.f32 v7, v0  }
0xc0: {  	v6 =	vadd.f32 v10, v1;
	[tilespmem:s6+$0x15610] =	vst v4  }
0xc1: {  	v13 =	vld [tilespmem:s6+$0xD680];
	v4 =	vadd.f32 v8, v3;
	[tilespmem:s6+$0x15620] =	vst v5  }
0xc2: {  	v8 =	vld [tilespmem:s6+$0xD690];
	v5 =	vadd.f32 v9, v2;
	[tilespmem:s6+$0x15650] =	vst v6  }
0xc3: {  	v7 =	vadd.f32 v11, v0;
	[tilespmem:s6+$0x15630] =	vst v4;
	v4 =	vld [tilespmem:s6+$0xD6A0]  }
0xc4: {  	v9 =	vadd.f32 v12, v3;
	[tilespmem:s6+$0x15640] =	vst v5;
	v5 =	vld [tilespmem:s6+$0xD6B0]  }
0xc5: {  	v6 =	vld [tilespmem:s6+$0xD6C0];
	[tilespmem:s6+$0x15660] =	vst v7  }
0xc6: {  	v7 =	vld [tilespmem:s6+$0xD6D0];
	[tilespmem:s6+$0x15670] =	vst v9;
	v9 =	vadd.f32 v13, v2  }
0xc7: {  	s5 =	sor.u32 $0x80, s17;
	s8 =	simm.s32 $0x100;
	s3 =	simm.s32 $0x800;
	v10 =	vadd.f32 v8, v1;
	v8 =	vld [tilespmem:s6+$0xD6E0]  }
.LBB2_7:
0xc8: {  	p1 =	sne.s32 s3, $0x7C00;
	v11 =	vld [tilespmem:s8+$0xD6F0];
	[tilespmem:s6+$0x15680] =	vst v9;
	v4 =	vadd.f32 v4, v0  }
0xc9: {  	v9 =	vld [tilespmem:s8+$0xD600];
	[tilespmem:s6+$0x15690] =	vst v10;
	v5 =	vadd.f32 v5, v3  }
0xca: {  	v10 =	vld [tilespmem:s8+$0xD610];
	[tilespmem:s6+$0x156A0] =	vst v4;
	v4 =	vadd.f32 v6, v2  }
0xcb: {  	v6 =	vld [tilespmem:s8+$0xD620];
	[tilespmem:s6+$0x156B0] =	vst v5;
	v5 =	vadd.f32 v7, v1  }
0xcc: {  	v7 =	vld [tilespmem:s8+$0xD630];
	[tilespmem:s6+$0x156C0] =	vst v4;
	v4 =	vadd.f32 v8, v0  }
0xcd: {  	v8 =	vld [tilespmem:s8+$0xD640];
	v11 =	vadd.f32 v11, v3;
	[tilespmem:s6+$0x156D0] =	vst v5  }
0xce: {  	v5 =	vadd.f32 v9, v2;
	v9 =	vld [tilespmem:s8+$0xD650];
	[tilespmem:s6+$0x156E0] =	vst v4;
	s6 =	smov.u32 s8  }
0xcf: {  	v4 =	vadd.f32 v10, v1;
	v10 =	vld [tilespmem:s6+$0xD660];
	[tilespmem:s6+$0x156F0] =	vst v11  }
0xd0: {  	[tilespmem:s6+$0x15600] =	vst v5;
	v5 =	vadd.f32 v6, v0;
	v6 =	vld [tilespmem:s6+$0xD670]  }
0xd1: {  	[tilespmem:s6+$0x15610] =	vst v4;
	v4 =	vadd.f32 v7, v3;
	v7 =	vld [tilespmem:s6+$0xD680]  }
0xd2: {  	[tilespmem:s6+$0x15620] =	vst v5;
	v5 =	vadd.f32 v8, v2;
	v8 =	vld [tilespmem:s6+$0xD690]  }
.Ltmp2:
0xd3: {  	[tilespmem:s6+$0x15630] =	vst v4;
	v9 =	vadd.f32 v9, v1;
	v4 =	vld [tilespmem:s6+$0xD6A0];
	(pc) =	sbr.rel @p1 .LBB2_7-.Ltmp2, $4  }
0xd4: {  	[tilespmem:s6+$0x15640] =	vst v5;
	v10 =	vadd.f32 v10, v0;
	v5 =	vld [tilespmem:s6+$0xD6B0]  }
0xd5: {  	[tilespmem:s6+$0x15650] =	vst v9;
	v11 =	vadd.f32 v6, v3;
	v6 =	vld [tilespmem:s6+$0xD6C0]  }
0xd6: {  	[tilespmem:s6+$0x15660] =	vst v10;
	v9 =	vadd.f32 v7, v2;
	v7 =	vld [tilespmem:s6+$0xD6D0]  }
0xd7: {  	s8 =	sshra.s32 s3, $0x2;
	s3 =	sadd.s32 $0x400, s3;
	[tilespmem:s6+$0x15670] =	vst v11;
	v10 =	vadd.f32 v8, v1;
	v8 =	vld [tilespmem:s6+$0xD6E0]  }
0xd8: {  	v11 =	vld [tilespmem:s8+$0xD6F0];
	[tilespmem:s6+$0x15680] =	vst v9;
	v4 =	vadd.f32 v4, v0  }
0xd9: {  	v9 =	vld [tilespmem:s8+$0xD600];
	[tilespmem:s6+$0x15690] =	vst v10;
	v5 =	vadd.f32 v5, v3  }
0xda: {  	v10 =	vld [tilespmem:s8+$0xD610];
	[tilespmem:s6+$0x156A0] =	vst v4;
	v6 =	vadd.f32 v6, v2  }
0xdb: {  	v4 =	vld [tilespmem:s8+$0xD620];
	[tilespmem:s6+$0x156B0] =	vst v5;
	v7 =	vadd.f32 v7, v1  }
0xdc: {  	v5 =	vld [tilespmem:s8+$0xD630];
	[tilespmem:s6+$0x156C0] =	vst v6;
	v8 =	vadd.f32 v8, v0  }
0xdd: {  	v6 =	vld [tilespmem:s8+$0xD640];
	[tilespmem:s6+$0x156D0] =	vst v7;
	v11 =	vadd.f32 v11, v3  }
0xde: {  	v7 =	vld [tilespmem:s8+$0xD650];
	[tilespmem:s6+$0x156E0] =	vst v8;
	v8 =	vadd.f32 v9, v2  }
0xdf: {  	v9 =	vld [tilespmem:s8+$0xD660];
	[tilespmem:s8+$0x156F0] =	vst v11;
	v10 =	vadd.f32 v10, v1  }
0xe0: {  	[tilespmem:s8+$0x15600] =	vst v8;
	v8 =	vld [tilespmem:s8+$0xD670];
	v4 =	vadd.f32 v4, v0  }
0xe1: {  	[tilespmem:s8+$0x15610] =	vst v10;
	v10 =	vld [tilespmem:s8+$0xD680];
	v5 =	vadd.f32 v5, v3  }
0xe2: {  	[tilespmem:s8+$0x15620] =	vst v4;
	v4 =	vld [tilespmem:s8+$0xD690];
	v6 =	vadd.f32 v6, v2  }
0xe3: {  	[tilespmem:s8+$0x15630] =	vst v5;
	v5 =	vld [tilespmem:s8+$0xD6A0];
	v7 =	vadd.f32 v7, v1  }
0xe4: {  	[tilespmem:s8+$0x15640] =	vst v6;
	v6 =	vld [tilespmem:s8+$0xD6B0];
	v9 =	vadd.f32 v9, v0  }
0xe5: {  	[tilespmem:s8+$0x15650] =	vst v7;
	v7 =	vld [tilespmem:s8+$0xD6C0];
	v8 =	vadd.f32 v8, v3  }
0xe6: {  	[tilespmem:s8+$0x15660] =	vst v9;
	v9 =	vld [tilespmem:s8+$0xD6D0];
	v10 =	vadd.f32 v10, v2  }
0xe7: {  	[tilespmem:s8+$0x15670] =	vst v8;
	v4 =	vadd.f32 v4, v1;
	v8 =	vld [tilespmem:s8+$0xD6E0]  }
0xe8: {  	[tilespmem:s8+$0x15680] =	vst v10;
	v5 =	vadd.f32 v5, v0  }
0xe9: {  	[tilespmem:s8+$0x15690] =	vst v4;
	v3 =	vadd.f32 v6, v3  }
0xea: {  	[tilespmem:s8+$0x156A0] =	vst v5;
	v2 =	vadd.f32 v7, v2  }
0xeb: {  	[tilespmem:s8+$0x156B0] =	vst v3;
	v1 =	vadd.f32 v9, v1  }
0xec: {  	s3 =	smin.u32 s15, $0xC1;
	[tilespmem:s8+$0x156C0] =	vst v2;
	v0 =	vadd.f32 v8, v0  }
0xed: {  	s3 =	sshll.u32 s3, $0x7;
	[tilespmem:s8+$0x156D0] =	vst v1  }
0xee: {  	s3 =	sadd.s32 $0x300, s3;
	[tilespmem:s8+$0x156E0] =	vst v0;
	s8 =	sor.u32 s7, s5  }
0xef: {  	[tilespmem:s16], [sflag:$0x3] =	stream.indirect.gather [hbm4b:s4+s9], $0x40, s3, s9, $0xb8;
	[tilespmem:$0x19600] =	vst v63  }
0xf0: {  	s3 =	sshrl.u32 s8, $0x3  }
0xf1: {  	s3 =	sadd.s32 s2, s3  }
0xf2: {  	[hbm4b:s3+s20] =	stream.strided.scatter [tilespmem:s26], [sflag:$0x7], $0x2000, s21, s20, $0x38;
	[tilespmem:$0x19600] =	vst v63  }
0xf3: {  	_ =	swait.ge [sflag:s28], $0x2000  }
0xf4: {  	[sflag:s28] =	ssyncset.done $0x0  }
0xf5: {  	s3 =	simm.s32 @!p0 $0x8;
	[sflag:s28] =	ssyncadd.s32 $0xFFFFE000  }
0xf6: {  	_ =	swait.ge @!p0 [sflag:s3], $0x2000  }
0xf7: {  	[sflag:s3] =	ssyncset.done @!p0 $0x0  }
0xf8: {  	[sflag:s3] =	ssyncadd.s32 @!p0 $0xFFFFE000  }
0xf9: {  	v2 =	vld [tilespmem:s17+$0x64C0]  }
0xfa: {  	v1 =	vld [tilespmem:s17+$0x64D0]  }
0xfb: {  	v0 =	vld [tilespmem:s17+$0x64E0]  }
0xfc: {  	s6 =	simm.s32 $0x0;
	v3 =	vld [tilespmem:s17+$0x64F0]  }
0xfd: {  	v4 =	vld [tilespmem:s6+$0xF6F0]  }
0xfe: {  	v5 =	vld [tilespmem:s6+$0xF600]  }
0xff: {  	v6 =	vld [tilespmem:s6+$0xF610]  }
0x100: {  	v7 =	vld [tilespmem:s6+$0xF620]  }
0x101: {  	v10 =	vld [tilespmem:s6+$0xF650]  }
0x102: {  	v8 =	vld [tilespmem:s6+$0xF630];
	v4 =	vadd.f32 v4, v3  }
0x103: {  	v9 =	vld [tilespmem:s6+$0xF640];
	v5 =	vadd.f32 v5, v2  }
0x104: {  	v11 =	vld [tilespmem:s6+$0xF660];
	[tilespmem:s6+$0x176F0] =	vst v4;
	v4 =	vadd.f32 v6, v1  }
0x105: {  	v12 =	vld [tilespmem:s6+$0xF670];
	[tilespmem:s6+$0x17600] =	vst v5;
	v5 =	vadd.f32 v7, v0  }
0x106: {  	v6 =	vadd.f32 v10, v1;
	[tilespmem:s6+$0x17610] =	vst v4  }
0x107: {  	v13 =	vld [tilespmem:s6+$0xF680];
	v4 =	vadd.f32 v8, v3;
	[tilespmem:s6+$0x17620] =	vst v5  }
0x108: {  	v8 =	vld [tilespmem:s6+$0xF690];
	v5 =	vadd.f32 v9, v2;
	[tilespmem:s6+$0x17650] =	vst v6  }
0x109: {  	v7 =	vadd.f32 v11, v0;
	[tilespmem:s6+$0x17630] =	vst v4;
	v4 =	vld [tilespmem:s6+$0xF6A0]  }
0x10a: {  	v9 =	vadd.f32 v12, v3;
	[tilespmem:s6+$0x17640] =	vst v5;
	v5 =	vld [tilespmem:s6+$0xF6B0]  }
0x10b: {  	v6 =	vld [tilespmem:s6+$0xF6C0];
	[tilespmem:s6+$0x17660] =	vst v7  }
0x10c: {  	v7 =	vld [tilespmem:s6+$0xF6D0];
	[tilespmem:s6+$0x17670] =	vst v9;
	v9 =	vadd.f32 v13, v2  }
0x10d: {  	s5 =	sor.u32 $0xC0, s17;
	s8 =	simm.s32 $0x100;
	s3 =	simm.s32 $0x800;
	v10 =	vadd.f32 v8, v1;
	v8 =	vld [tilespmem:s6+$0xF6E0]  }
.LBB2_9:
0x10e: {  	p0 =	sne.s32 s3, $0x7C00;
	v11 =	vld [tilespmem:s8+$0xF6F0];
	[tilespmem:s6+$0x17680] =	vst v9;
	v4 =	vadd.f32 v4, v0  }
0x10f: {  	v9 =	vld [tilespmem:s8+$0xF600];
	[tilespmem:s6+$0x17690] =	vst v10;
	v5 =	vadd.f32 v5, v3  }
0x110: {  	v10 =	vld [tilespmem:s8+$0xF610];
	[tilespmem:s6+$0x176A0] =	vst v4;
	v4 =	vadd.f32 v6, v2  }
0x111: {  	v6 =	vld [tilespmem:s8+$0xF620];
	[tilespmem:s6+$0x176B0] =	vst v5;
	v5 =	vadd.f32 v7, v1  }
0x112: {  	v7 =	vld [tilespmem:s8+$0xF630];
	[tilespmem:s6+$0x176C0] =	vst v4;
	v4 =	vadd.f32 v8, v0  }
0x113: {  	v8 =	vld [tilespmem:s8+$0xF640];
	v11 =	vadd.f32 v11, v3;
	[tilespmem:s6+$0x176D0] =	vst v5  }
0x114: {  	v5 =	vadd.f32 v9, v2;
	v9 =	vld [tilespmem:s8+$0xF650];
	[tilespmem:s6+$0x176E0] =	vst v4;
	s6 =	smov.u32 s8  }
0x115: {  	v4 =	vadd.f32 v10, v1;
	v10 =	vld [tilespmem:s6+$0xF660];
	[tilespmem:s6+$0x176F0] =	vst v11  }
0x116: {  	[tilespmem:s6+$0x17600] =	vst v5;
	v5 =	vadd.f32 v6, v0;
	v6 =	vld [tilespmem:s6+$0xF670]  }
0x117: {  	[tilespmem:s6+$0x17610] =	vst v4;
	v4 =	vadd.f32 v7, v3;
	v7 =	vld [tilespmem:s6+$0xF680]  }
0x118: {  	[tilespmem:s6+$0x17620] =	vst v5;
	v5 =	vadd.f32 v8, v2;
	v8 =	vld [tilespmem:s6+$0xF690]  }
.Ltmp3:
0x119: {  	[tilespmem:s6+$0x17630] =	vst v4;
	v9 =	vadd.f32 v9, v1;
	v4 =	vld [tilespmem:s6+$0xF6A0];
	(pc) =	sbr.rel @p0 .LBB2_9-.Ltmp3, $4  }
0x11a: {  	[tilespmem:s6+$0x17640] =	vst v5;
	v10 =	vadd.f32 v10, v0;
	v5 =	vld [tilespmem:s6+$0xF6B0]  }
0x11b: {  	[tilespmem:s6+$0x17650] =	vst v9;
	v11 =	vadd.f32 v6, v3;
	v6 =	vld [tilespmem:s6+$0xF6C0]  }
0x11c: {  	[tilespmem:s6+$0x17660] =	vst v10;
	v9 =	vadd.f32 v7, v2;
	v7 =	vld [tilespmem:s6+$0xF6D0]  }
0x11d: {  	s8 =	sshra.s32 s3, $0x2;
	s3 =	sadd.s32 $0x400, s3;
	[tilespmem:s6+$0x17670] =	vst v11;
	v10 =	vadd.f32 v8, v1;
	v8 =	vld [tilespmem:s6+$0xF6E0]  }
0x11e: {  	v11 =	vld [tilespmem:s8+$0xF6F0];
	[tilespmem:s6+$0x17680] =	vst v9;
	v4 =	vadd.f32 v4, v0  }
0x11f: {  	v9 =	vld [tilespmem:s8+$0xF600];
	[tilespmem:s6+$0x17690] =	vst v10;
	v5 =	vadd.f32 v5, v3  }
0x120: {  	v10 =	vld [tilespmem:s8+$0xF610];
	[tilespmem:s6+$0x176A0] =	vst v4;
	v6 =	vadd.f32 v6, v2  }
0x121: {  	v4 =	vld [tilespmem:s8+$0xF620];
	[tilespmem:s6+$0x176B0] =	vst v5;
	v7 =	vadd.f32 v7, v1  }
0x122: {  	v5 =	vld [tilespmem:s8+$0xF630];
	[tilespmem:s6+$0x176C0] =	vst v6;
	v8 =	vadd.f32 v8, v0  }
0x123: {  	v6 =	vld [tilespmem:s8+$0xF640];
	[tilespmem:s6+$0x176D0] =	vst v7;
	v11 =	vadd.f32 v11, v3  }
0x124: {  	v7 =	vld [tilespmem:s8+$0xF650];
	[tilespmem:s6+$0x176E0] =	vst v8;
	v50 =	vadd.f32 v9, v2  }
0x125: {  	v51 =	vld [tilespmem:s8+$0xF660];
	[tilespmem:s8+$0x176F0] =	vst v11;
	v10 =	vadd.f32 v10, v1  }
0x126: {  	v52 =	vld [tilespmem:s8+$0xF670];
	[tilespmem:s8+$0x17600] =	vst v50;
	v4 =	vadd.f32 v4, v0  }
0x127: {  	v53 =	vld [tilespmem:s8+$0xF680];
	[tilespmem:s8+$0x17610] =	vst v10;
	v5 =	vadd.f32 v5, v3  }
0x128: {  	v54 =	vld [tilespmem:s8+$0xF690];
	[tilespmem:s8+$0x17620] =	vst v4;
	v6 =	vadd.f32 v6, v2  }
0x129: {  	v55 =	vld [tilespmem:s8+$0xF6A0];
	[tilespmem:s8+$0x17630] =	vst v5;
	v7 =	vadd.f32 v7, v1  }
0x12a: {  	v56 =	vld [tilespmem:s8+$0xF6B0];
	[tilespmem:s8+$0x17640] =	vst v6;
	v9 =	vadd.f32 v51, v0  }
0x12b: {  	v57 =	vld [tilespmem:s8+$0xF6C0];
	v8 =	vadd.f32 v52, v3;
	[tilespmem:s8+$0x17650] =	vst v7  }
0x12c: {  	v58 =	vld [tilespmem:s8+$0xF6D0];
	v10 =	vadd.f32 v53, v2;
	[tilespmem:s8+$0x17660] =	vst v9  }
0x12d: {  	v59 =	vld [tilespmem:s8+$0xF6E0];
	v4 =	vadd.f32 v54, v1;
	[tilespmem:s8+$0x17670] =	vst v8  }
0x12e: {  	v5 =	vadd.f32 v55, v0;
	[tilespmem:s8+$0x17680] =	vst v10  }
0x12f: {  	v60 =	vadd.f32 v56, v3;
	[tilespmem:s8+$0x17690] =	vst v4  }
0x130: {  	v61 =	vadd.f32 v57, v2;
	[tilespmem:s8+$0x176A0] =	vst v5  }
0x131: {  	v62 =	vadd.f32 v58, v1;
	[tilespmem:s8+$0x176B0] =	vst v60  }
0x132: {  	s3 =	smin.u32 s15, $0xC0;
	s12 =	sadd.s32 $0x1, s12;
	v63 =	vadd.f32 v59, v0;
	[tilespmem:s8+$0x176C0] =	vst v61  }
0x133: {  	s3 =	sshll.u32 s3, $0x7;
	p0 =	sne.s32 s12, $0x32;
	[tilespmem:s8+$0x176D0] =	vst v62  }
.Ltmp4:
0x134: {  	s17 =	sor.u32 s7, s5;
	s3 =	sadd.s32 $0x380, s3;
	[tilespmem:s8+$0x176E0] =	vst v63;
	(pc) =	sbr.rel @p0 .LBB2_2-.Ltmp4, $4  }
0x135: {  	[tilespmem:s18], [sflag:$0x4] =	stream.indirect.gather [hbm4b:s4+s9], $0x40, s3, s9, $0xb8;
	[tilespmem:$0x19600] =	vst v63  }
0x136: {  	s3 =	sshrl.u32 s17, $0x3  }
0x137: {  	s3 =	sadd.s32 s2, s3  }
0x138: {  	[hbm4b:s3+s20] =	stream.strided.scatter [tilespmem:s29], [sflag:$0x8], $0x2000, s21, s20, $0x38;
	[tilespmem:$0x19600] =	vst v63  }
0x139: {  	_ =	swait.ge [sflag:s19], $0x2000  }
0x13a: {  	[sflag:s19] =	ssyncset.done $0x0  }
0x13b: {  	[sflag:s19] =	ssyncadd.s32 $0xFFFFE000  }
0x13c: {  	_ =	swait.ge [sflag:s30], $0x2000  }
0x13d: {  	[sflag:s30] =	ssyncset.done $0x0  }
0x13e: {  	[sflag:s30] =	ssyncadd.s32 $0xFFFFE000  }
0x13f: {  	_ =	swait.ge [sflag:s23], $0x2000  }
0x140: {  	[sflag:s23] =	ssyncset.done $0x0  }
0x141: {  	[sflag:s23] =	ssyncadd.s32 $0xFFFFE000  }
0x142: {  	_ =	swait.ge [sflag:s31], $0x2000  }
0x143: {  	[sflag:s31] =	ssyncset.done $0x0  }
0x144: {  	[sflag:s31] =	ssyncadd.s32 $0xFFFFE000  }
0x145: {  	_ =	swait.ge [sflag:s25], $0x2000  }
0x146: {  	[sflag:s25] =	ssyncset.done $0x0  }
0x147: {  	[sflag:s25] =	ssyncadd.s32 $0xFFFFE000  }
0x148: {  	_ =	swait.ge [sflag:s0], $0x2000  }
0x149: {  	[sflag:s0] =	ssyncset.done $0x0  }
0x14a: {  	[sflag:s0] =	ssyncadd.s32 $0xFFFFE000  }
0x14b: {  	_ =	swait.ge [sflag:s28], $0x2000  }
0x14c: {  	[sflag:s28] =	ssyncset.done $0x0  }
0x14d: {  	[sflag:s28] =	ssyncadd.s32 $0xFFFFE000  }
0x14e: {  	_ =	swait.ge [sflag:s1], $0x2000  }
0x14f: {  	s10 =	sadd.s32 $0x1, s10;
	s3 =	rddreg [dreg:$0x5]  }
0x150: {  	p0 =	sne.s32 s10, s3  }
.Ltmp5:
0x151: {  	_ = 	snop;
	(pc) =	sbr.rel @p0 .LBB2_1-.Ltmp5, $3  }
0x152: {  	_ =	sdelay $0x1  }
0x153: {  	[sflag:s1] =	ssyncset.done $0x0  }
0x154: {  	[sflag:s1] =	ssyncadd.s32 $0xFFFFE000  }
0x155: {  	_ =	sfence.sel $0x180000  }
0x156: {  	[bflag:$0x0] =	sbarrier.arrive $0xFFFF  }
0x157: {  	_ =	strace $0x90000047  }
0x158: {  	s0 =	stileid.u32;
	[bflag:$0x2] =	sbarrier.arrive $0xFFFF  }
0x159: {  	p0 =	sne.s32 s0, $0x0;
	s0 =	rddreg [dreg:$0x2]  }
0x15a: {  	s0 =	sadd.s32 @!p0 $0x100000, s0  }
0x15b: {  	[sflag:s0] =	ssyncadd.tile.s32 @!p0 $0x1;
	_ =	shalt  }
.Lfunc_end2:
_tile_overlayer_lowered:
.L_overlay_start_2:
0x15c: {  	(tag) =	ssettag $0x2  }
0x15d: {  	s0 =	rddreg [dreg:$0x0];
	s2 =	stileid.u32  }
0x15e: {  	s1 =	rddreg [dreg:$0x1];
	p0 =	sne.s32 s2, $0x0  }
0x15f: {  	s3 =	rddreg [dreg:$0x2];
	[bflag:$0x3] =	sbarrier.arrive $0xFFFF;
	s2 =	simm.s32 @!p0 $0x1C09  }
0x160: {  	[timem:s3], [sflag:s2] =	dma.local @!p0 [hbm:s0], s1  }
0x161: {  	s0 =	simm.s32 @!p0 $0x9  }
0x162: {  	_ =	swait.ge @!p0 [sflag:s0], s1  }
0x163: {  	s1 =	ssub.s32 @!p0 $0x0, s1;
	[sflag:s0] =	ssyncset.done @!p0 $0x0  }
0x164: {  	[sflag:s0] =	ssyncadd.s32 @!p0 s1  }
0x165: {  	[bflag:$0x3] =	sbarrier.arrive $0xFFFF  }
0x166: {  	_ =	shalt  }

// kernel: sparse-core-data-format-call.cloned.1.call-start
scs
called_computation_lowered:
.L_overlay_start_0:
0x0: {  	s2 =	sld [smem:$0x3FD9]  }
0x1: {  	s3 =	sld [smem:$0x3FFE];
	_ =	sdelay $0x1  }
0x2: {  	s1 =	srdreg.scid  }
0x3: {  	s0 =	sand.u32 $0x1, s1  }
0x4: {  	s18 =	sshll.u32 s0, $0xA;
	s2 =	sadd.s32 s3, s2  }
0x5: {  	s2 =	sadd.s32 s2, s18  }
0x6: {  	[smem:$0x3FC5] =	sst s2  }
0x7: {  	_ = 	snop  }
0x8: {  	s2 =	sld [smem:$0x3FD0];
	(tm) =	ssettm $0x1  }
0x9: {  	s19 =	sld [smem:$0x3FFB];
	_ =	sdelay $0x3  }
0xa: {  	_ =	strace s19  }
0xb: {  	s3 =	sld [smem:$0x3FFC];
	_ =	sdelay $0x3  }
0xc: {  	_ =	strace s3  }
0xd: {  	s3 =	sld [smem:$0x3FFD];
	_ =	sdelay $0x3  }
0xe: {  	_ =	strace s3  }
0xf: {  	_ =	strace $0x8FFFFFFF  }
0x10: {  	s20 =	sld [smem:$0x3FDB];
	_ =	sdelay $0x1  }
0x11: {  	s4 =	simm.s32 $_scs_section_size  }
0x12: {  	s5 =	simm.s32 $_size__tile_overlayer_lowered;
	s6 =	simm.s32 $_tile_overlayer_lowered  }
0x13: {  	s23 =	simm.s32 $0x1BFF;
	s22 =	sshll.u32 s6, $0x1;
	s3 =	sadd.s32 s4, s20  }
0x14: {  	s7 =	simm.s32 $0x0;
	s21 =	sshll.u32 s5, $0x1;
	s5 =	sadd.s32 s22, s3  }
0x15: {  	[timem:s7], [sflag:s23] =	dma.local [hbm:s5], s21  }
0x16: {  	_ =	swait.ge [sflag:s23], s21  }
0x17: {  	s4 =	ssub.s32 $0x0, s21;
	[sflag:s23] =	ssyncset.done $0x0  }
0x18: {  	[sflag:s23] =	ssyncadd.s32 s4;
	_ =	sdelay $0x1  }
0x19: {  	s24 =	simm.s32 $0x1B8B  }
0x1a: {  	_ =	swait.ge [sflag:s24], $0x1  }
0x1b: {  	[sflag:s24] =	ssyncset.done $0x0  }
0x1c: {  	s26 =	simm.s32 $0x1B8E;
	s25 =	sld [smem:$0x3FFE];
	[sflag:s24] =	ssyncadd.s32 $0xFFFFFFFF  }
0x1d: {  	s27 =	simm.s32 $execute0_lowered;
	[smem:$0x3FD2] =	sst s26  }
0x1e: {  	s5 =	sshll.u32 s27, $0x1;
	_ =	strace $0x80000049;
	[dreg:$0x1] =	wrdreg $0xFFFFFFFF  }
0x1f: {  	s28 =	simm.s32 $_size_execute0_lowered;
	s3 =	sadd.s32 s3, s5;
	[dreg:$0x0] =	wrdreg $0x0  }
0x20: {  	s5 =	sshll.u32 s28, $0x1;
	[dreg:$0x2] =	wrdreg s3  }
0x21: {  	[dreg:$0x3] =	wrdreg s5  }
0x22: {  	[dreg:$0x4] =	wrdreg $0xC0  }
0x23: {  	_ =	task [dreg:s7], $0x5FFFF  }
0x24: {  	[dreg:$0x1] =	wrdreg $0xFFFFFFFF  }
0x25: {  	[dreg:$0x0] =	wrdreg $0x60  }
0x26: {  	[dreg:$0x2] =	wrdreg s25  }
0x27: {  	[dreg:$0x3] =	wrdreg s2  }
0x28: {  	[dreg:$0x4] =	wrdreg $0x9  }
0x29: {  	_ =	task.clear_ibuf [dreg:s7], $0x5FFFF;
	_ =	strace $0x90000049  }
0x2a: {  	s29 =	simm.s32 $0x9;
	_ =	strace $0x8000004B  }
0x2b: {  	_ =	swait.ge [sflag:s29], $0x1  }
0x2c: {  	[sflag:s29] =	ssyncadd.s32 $0xFFFFFFFF  }
0x2d: {  	_ =	strace $0x9000004B  }
0x2e: {  	_ =	sfence  }
0x2f: {  	s30 =	sld [smem:$0x0];
	_ =	sdelay $0x2  }
0x30: {  	s31 =	sshll.u32 s1, $0xD;
	s1 =	sshrl.u32 s1, $0x2  }
0x31: {  	s3 =	sand.u32 $0x4000, s31;
	s1 =	sadd.s32 s1, s30  }
0x32: {  	s0 =	sor.u32 s3, s0;
	s1 =	sshll.u32 s1, $0x11  }
0x33: {  	s0 =	sor.u32 s1, s0  }
0x34: {  	s0 =	sadd.s32 $0x8F2B, s0  }
0x35: {  	[sflag:s0] =	ssyncadd.remote.s32 $0x1  }
0x36: {  	_ =	sfence.sel $0xFFFF  }
0x37: {  	[dreg:$0x0] =	wrdreg $0xFFFFFFFF;
	(pc) =	sbr.abs _section_cstart, $3  }
0x38: {  	[dreg:$0x1] =	wrdreg $0xFFFFFFFF  }
0x39: {  	_ =	task.clear_ibuf [dreg:s7], $0x2FFFF;
	_ =	strace $0x9FFFFFFF  }
0x3a: {  	(tm) =	ssettm $0x7FFFFFFF  }
0x3b: {  	_ =	shalt  }
tec
execute0_lowered:
.L_overlay_start_1:
0x0: {  	(tag) =	ssettag $0x1  }
0x1: {  	s0 =	srdreg.scid  }
0x2: {  	s1 =	sshll.u32 s0, $0x4  }
0x3: {  	s0 =	stileid.u32;
	s1 =	sand.u32 $0x10, s1  }
0x4: {  	s1 =	sor.u32 s0, s1  }
0x5: {  	s6 =	rddreg [dreg:$0x0];
	s4 =	simm.s32 $0x1;
	s2 =	sshll.u32 s1, $0x7  }
0x6: {  	s7 =	simm.s32 $0x2;
	s12 =	simm.s32 $0x0;
	s1 =	ssub.s32 $0x1000, s2  }
0x7: {  	s8 =	simm.s32 $0x8000;
	s13 =	simm.s32 $0x0;
	s3 =	sand.u32 $0xF80, s1  }
0x8: {  	s9 =	simm.s32 $0x0;
	s5 =	sshrl.u32 s1, $0xC;
	p0 =	sne.s32 s3, $0x0  }
.Ltmp0:
0x9: {  	s1 =	rddreg [dreg:$0x2];
	s4 =	simm.s32 @!p0 $0x0;
	(pc) =	sbr.rel .LBB1_1-.Ltmp0, $4  }
0xa: {  	s11 =	simm.s32 $0x0;
	s3 =	rddreg [dreg:$0x1];
	s5 =	sadd.s32 s4, s5  }
0xb: {  	_ =	strace $0x8000004A;
	s4 =	simm.s32 $0x1;
	s5 =	smul.u32 $0xC8, s5  }
0xc: {  	s6 =	sadd.s32 $0x800, s6;
	s10 =	smov.u32 s2;
	[sflag:s4] =	ssyncpa.u1 $0x0  }
0xd: {  	p0 =	por $0x0, $0x0;
	[sflag:s7] =	ssyncpa.u1 $0x0;
	s7 =	sor.u32 $0x1, s5  }
.LBB1_4:
0xe: {  	s16 =	sshll.u32 s13, $0x3;
	s17 =	sand.u32 $0x78, s13  }
0xf: {  	s30 =	sand.u32 $0x7E00, s13;
	s12 =	sshll.u32 s12, $0xF;
	s16 =	sand.u32 $0xC00, s16  }
0x10: {  	[tilespmem:s15+$0x810 ss:$0x81] =	vst.msk $0xffff, v2;
	s31 =	sand.u32 $0x7, s13;
	s16 =	sor.u32 s17, s16;
	s17 =	sadd.s32 s3, s30  }
0x11: {  	[tilespmem:s15+$0x1020 ss:$0x81] =	vst.msk $0xffff, v0;
	s13 =	sshll.u32 s31, $0x12;
	s12 =	sadd.s32 s12, s17;
	s16 =	sshrl.u32 s16, $0x3  }
0x12: {  	[tilespmem:s15+$0x0 ss:$0x81] =	vst.msk $0xffff, v1;
	s13 =	sor.u32 $0x400, s13;
	s12 =	sadd.s32 s16, s12  }
0x13: {  	[hbm4b:s12+s13] =	stream.strided.scatter [tilespmem:s14], [sflag:$0x2], $0x2000, s8, s13, $0x20;
	[tilespmem:$0x8080] =	vst v63  }
.LBB1_5:
0x14: {  	s14 =	sadd.s32 $0x1, s9  }
0x15: {  	s12 =	sadd.s32 $0x1000, s10;
	s16 =	smov.u32 s10;
	p2 =	sgt.s32 s14, $0xC7  }
0x16: {  	s16 =	smov.u32 @p2 s12  }
0x17: {  	s14 =	simm.s32 @p2 $0x0;
	p2 =	sgt.s32 s16, $0xFFF  }
0x18: {  	s16 =	smov.u32 @p2 s2;
	p2 =	sne.s32 s11, s7  }
.Ltmp1:
0x19: {  	p1 =	slt.u32 s11, $0x2;
	(pc) =	sbr.rel @!p2 .LBB1_6-.Ltmp1, $4  }
0x1a: {  	s15 =	simm.s32 @!p1 $0x2  }
0x1b: {  	s13 =	smov.u32 s10;
	p0 =	por !p0, !p0;
	_ =	swait.ge @!p1 [sflag:s15], $0x2000  }
0x1c: {  	s12 =	smov.u32 s9;
	[sflag:s15] =	ssyncset.done @!p1 $0x0;
	s9 =	smov.u32 s14  }
0x1d: {  	s11 =	sadd.s32 $0x1, s11;
	[sflag:s15] =	ssyncadd.s32 @!p1 $0xFFFFE000;
	s10 =	smov.u32 s16  }
.LBB1_1:
0x1e: {  	p1 =	sge.u32 s11, s5  }
0x1f: {  	s14 =	sand.u32 @!p1 $0x1FFFFFF, s9  }
0x20: {  	s15 =	smulhi.u32 @!p1 $0x147AE15, s14;
	_ =	sdelay $0x1  }
0x21: {  	s15 =	smul.u32 @!p1 $0xC8, s15  }
0x22: {  	s16 =	sxor.u32 @!p1 $0xFFFFFFFF, s11;
	s17 =	smul.u32 @!p1 $0xC80, s10  }
0x23: {  	s31 =	sadd.s32 $0xFFFFFFFF, s11;
	s16 =	sshll.u32 @!p1 s16, $0xD;
	s14 =	ssub.s32 @!p1 s14, s15  }
0x24: {  	s15 =	sand.u32 @!p1 $0x2000, s16;
	s16 =	sadd.s32 @!p1 s6, s17;
	s14 =	sshll.u32 @!p1 s14, $0x4  }
0x25: {  	s17 =	simm.s32 @!p1 $0x6400;
	s14 =	sadd.s32 @!p1 s14, s16;
	s16 =	simm.s32 @!p1 $0x40  }
0x26: {  	[tilespmem:s15], [sflag:$0x1] =	stream.strided.gather @!p1 [hbm4b:s14+s16], $0x2000, s17, s16, $0x38;
	[tilespmem:$0x8080] =	vst v63  }
0x27: {  	p1 =	sge.u32 s31, s5  }
.Ltmp2:
0x28: {  	_ = 	snop;
	(pc) =	sbr.rel @p1 .LBB1_5-.Ltmp2, $1  }
0x29: {  	_ =	sdelay $0x3  }
0x2a: {  	s14 =	simm.s32 $0x1  }
0x2b: {  	_ =	swait.ge [sflag:s4], $0x2000;
	s14 =	simm.s32 @!p0 $0x0  }
0x2c: {  	[sflag:s4] =	ssyncset.done $0x0;
	s15 =	sshll.u32 s14, $0xD  }
0x2d: {  	[sflag:s4] =	ssyncadd.s32 $0xFFFFE000;
	s18 =	sor.u32 $0x20, s15  }
0x2e: {  	s14 =	smul.u32 $0x8100, s14;
	v3 =	vld [tilespmem:s18+$0x10]  }
0x2f: {  	s30 =	sand.u32 $0x1, s11;
	v2 =	vld [tilespmem:s18+$0xFFFFFFF0]  }
0x30: {  	s15 =	smul.u32 $0x8100, s30;
	s14 =	sshrl.u32 s14, $0x2;
	v0 =	vld [tilespmem:s18+$0x0]  }
0x31: {  	v1 =	vld [tilespmem:s18+$0xFFFFFFE0];
	s16 =	sor.u32 $0x4000, s14  }
0x32: {  	s31 =	sshrl.u32 s15, $0x2;
	s15 =	sadd.s32 $0x0, s16  }
0x33: {  	s17 =	simm.s32 $0x4;
	s18 =	sadd.s32 $0x40, s18;
	s14 =	sor.u32 $0x4000, s31;
	[tilespmem:s15+$0x1830 ss:$0x81] =	vst.msk $0xffff, v3  }
.LBB1_3:
0x34: {  	v3 =	vld [tilespmem:s18+$0x10];
	p1 =	sne.s32 s17, $0x1FC;
	[tilespmem:s15+$0x810 ss:$0x81] =	vst.msk $0xffff, v2;
	s19 =	smov.u32 s17;
	s17 =	sadd.s32 $0x4, s17  }
.Ltmp3:
0x35: {  	v2 =	vld [tilespmem:s18+$0xFFFFFFF0];
	[tilespmem:s15+$0x1020 ss:$0x81] =	vst.msk $0xffff, v0;
	(pc) =	sbr.rel @p1 .LBB1_3-.Ltmp3, $4  }
0x36: {  	v0 =	vld [tilespmem:s18+$0x0];
	[tilespmem:s15+$0x0 ss:$0x81] =	vst.msk $0xffff, v1  }
0x37: {  	s15 =	sshra.s32 s19, $0x2;
	v1 =	vld [tilespmem:s18+$0xFFFFFFE0]  }
0x38: {  	s15 =	sadd.s32 s15, s16  }
0x39: {  	s18 =	sadd.s32 $0x40, s18;
	[tilespmem:s15+$0x1830 ss:$0x81] =	vst.msk $0xffff, v3  }
.Ltmp4:
0x3a: {  	_ = 	snop;
	(pc) =	sbr.rel .LBB1_4-.Ltmp4, $1  }
0x3b: {  	_ =	sdelay $0x3  }
.LBB1_6:
0x3c: {  	_ =	sfence.sel $0x180000  }
0x3d: {  	s2 =	simm.s32 $0x1;
	[bflag:$0x0] =	sbarrier.arrive $0xFFFF  }
0x3e: {  	s31 =	simm.s32 $0x2;
	[sflag:s2] =	ssyncpa.u1 $0x1  }
0x3f: {  	[sflag:s31] =	ssyncpa.u1 $0x1  }
0x40: {  	p0 =	sne.s32 s0, $0x0;
	_ =	strace $0x9000004A  }
0x41: {  	s0 =	sadd.s32 @!p0 $0x100000, s1;
	[bflag:$0x2] =	sbarrier.arrive $0xFFFF  }
0x42: {  	[sflag:s0] =	ssyncadd.tile.s32 @!p0 $0x1;
	_ =	shalt  }
.Lfunc_end1:
_tile_overlayer_lowered:
.L_overlay_start_2:
0x43: {  	(tag) =	ssettag $0x2  }
0x44: {  	s0 =	rddreg [dreg:$0x0];
	s2 =	stileid.u32  }
0x45: {  	s1 =	rddreg [dreg:$0x1];
	p0 =	sne.s32 s2, $0x0  }
0x46: {  	s3 =	rddreg [dreg:$0x2];
	[bflag:$0x3] =	sbarrier.arrive $0xFFFF;
	s2 =	simm.s32 @!p0 $0x1C01  }
0x47: {  	[timem:s3], [sflag:s2] =	dma.local @!p0 [hbm:s0], s1  }
0x48: {  	s0 =	simm.s32 @!p0 $0x1  }
0x49: {  	_ =	swait.ge @!p0 [sflag:s0], s1  }
0x4a: {  	s1 =	ssub.s32 @!p0 $0x0, s1;
	[sflag:s0] =	ssyncset.done @!p0 $0x0  }
0x4b: {  	[sflag:s0] =	ssyncadd.s32 @!p0 s1  }
0x4c: {  	[bflag:$0x3] =	sbarrier.arrive $0xFFFF  }
0x4d: {  	_ =	shalt  }

</sc_bundles>
